<compile_context>
chip_gen: v7x
topology: tpu7x:2x2x1
jax: 0.10.2.dev20260603
libtpu: 0.0.44.dev20260713+nightly
codegen_flags: <defaults>
</compile_context>

<pallas_src>
import jax
import jax.numpy as jnp
from jax import lax
from jax.experimental import pallas as pl
from jax.experimental.pallas import tpu as pltpu
from jax.experimental.pallas import tpu_sc as plsc

_NW = 32
_NCHUNK = 16
_NBUF = 8
_RAHEAD = 4


def _tc_kernel(x_hbm, m_ref, xo_hbm, mo_ref, xbuf, rsem, wsem):
    def rd(i):
        return pltpu.make_async_copy(
            x_hbm.at[pl.ds(i, 1)], xbuf.at[i % _NBUF], rsem.at[i % _NBUF])

    def wr(i):
        return pltpu.make_async_copy(
            xbuf.at[i % _NBUF], xo_hbm.at[pl.ds(i, 1)], wsem.at[i % _NBUF])

    for i in range(_RAHEAD):
        rd(i).start()
    mo_ref[...] = m_ref[...] != 0.0
    for i in range(_NCHUNK):
        rd(i).wait()
        wr(i).start()
        nxt = i + _RAHEAD
        if nxt < _NCHUNK:
            if nxt >= _NBUF:
                wr(nxt - _NBUF).wait()
            rd(nxt).start()
    for i in range(_NCHUNK - min(_NBUF, _NCHUNK), _NCHUNK):
        wr(i).wait()


def _tc_copy(x, mask):
    return pl.pallas_call(
        _tc_kernel,
        in_specs=[
            pl.BlockSpec(memory_space=pltpu.MemorySpace.HBM),
            pl.BlockSpec(memory_space=pltpu.MemorySpace.VMEM),
        ],
        out_specs=[
            pl.BlockSpec(memory_space=pltpu.MemorySpace.HBM),
            pl.BlockSpec(memory_space=pltpu.MemorySpace.VMEM),
        ],
        out_shape=[
            jax.ShapeDtypeStruct(x.shape, x.dtype),
            jax.ShapeDtypeStruct(mask.shape, jnp.bool_),
        ],
        scratch_shapes=[
            pltpu.VMEM((_NBUF, 1) + x.shape[1:], x.dtype),
            pltpu.SemaphoreType.DMA((_NBUF,)),
            pltpu.SemaphoreType.DMA((_NBUF,)),
        ],
    )(x, mask)


def _sc_v_body(v_hbm, vo_hbm, vbuf, vsem):
    wid = lax.axis_index("s") * 2 + lax.axis_index("c")
    vrows = v_hbm.shape[0] // _NW
    v_rd = pltpu.make_async_copy(
        v_hbm.at[pl.ds(wid * vrows, vrows)], vbuf, vsem.at[0])
    v_wr = pltpu.make_async_copy(
        vbuf, vo_hbm.at[pl.ds(wid * vrows, vrows)], vsem.at[1])
    v_rd.start()
    v_rd.wait()
    v_wr.start()
    v_wr.wait()


def _sc_v_copy(v2):
    fn = pl.kernel(
        _sc_v_body,
        out_type=jax.ShapeDtypeStruct(v2.shape, v2.dtype),
        mesh=plsc.VectorSubcoreMesh(core_axis_name="c", subcore_axis_name="s"),
        scratch_types=[
            pltpu.VMEM((v2.shape[0] // _NW, v2.shape[1]), v2.dtype),
            pltpu.SemaphoreType.DMA((2,)),
        ],
    )
    return fn(v2)


def kernel(x, v, mask=None, uu=None):
    if mask is None:
        mask = jnp.ones_like(x[:, :1])
    v2 = v.reshape(-1, v.shape[-1])
    vo2 = _sc_v_copy(v2)
    xo, mo = _tc_copy(x, mask)
    return (xo, vo2.reshape(v.shape), mo, uu)

# --- scband reference (transcript-rebuilt; emitter-appended) ---
"""Pipeline reference for scband-sequence-trimmer-36876589204250 (READ-ONLY COPY).

The authoritative reference and input builder live on the scoring server;
editing this copy changes nothing except your own understanding.
"""

import jax, jax.numpy as jnp
import numpy as np

# SequenceTrimmer with enabled=False (default): only materializes/casts the mask
# to bool and passes x, v, uu through unchanged. The enabled branch is only
# active during training after 5 warmup calls and is disabled here.

def setup_inputs(seed: int = 0) -> dict:
    key = jax.random.key(seed)
    k1, k2 = jax.random.split(key)
    x = jax.random.normal(k1, (16, 128, 4096), dtype=jnp.float32)
    v = jax.random.normal(k2, (16, 4, 4096), dtype=jnp.float32)
    mask = jnp.ones((16, 1, 4096), dtype=jnp.float32)
    return {"x": x, "v": v, "mask": mask, "uu": None}


def reference(x, v, mask=None, uu=None):
    if mask is None:
        mask = jnp.ones_like(x[:, :1])
    mask = mask.astype(jnp.bool_)
    # enabled=False -> no trimming / permutation / slicing
    return (x, v, mask, uu)

if __name__ == "__main__":
    import jax
    _d = setup_inputs()
    print(jax.jit(kernel)(*tuple(_d.values())))

</pallas_src>

<mosaic_0001>
#map = affine_map<(d0, d1) -> (0, 0)>
module attributes {stable_mosaic.version = 14 : i64} {
  func.func @_sc_v_body(%arg0: i32, %arg1: i32, %arg2: memref<64x4096xf32, #tpu.memory_space<hbm>>, %arg3: memref<64x4096xf32, #tpu.memory_space<hbm>>, %arg4: memref<2x4096xf32, #tpu.memory_space<vmem>>, %arg5: memref<2x!tpu.dma_semaphore, #tpu.memory_space<semaphore_mem>>) attributes {dimension_semantics = [#tpu.dimension_semantics<core_parallel>, #tpu.dimension_semantics<subcore_parallel>], iteration_bounds = array<i64: 2, 16>, scalar_prefetch = 0 : i64, scratch_operands = 2 : i64, tpu.core_type = #tpu.core_type<sc_vector_subcore>, window_params = [{transform_indices = #map}, {transform_indices = #map}]} {
    %mul3A = arith.constant 2 : i32
    %mul3A_0 = arith.muli %arg1, %mul3A : i32
    %add3A = arith.addi %mul3A_0, %arg0 : i32
    %mul3A_1 = arith.constant 2 : i32
    %mul3A_2 = arith.muli %add3A, %mul3A_1 : i32
    %mul3A_3 = arith.constant 2 : i32
    %mul3A_4 = arith.muli %add3A, %mul3A_3 : i32
    %dma_start3A = arith.constant 0 : i32
    %dma_start3A_5 = arith.constant 0 : i32
    %dma_start3A_6 = tpu.memref_slice %arg2[%mul3A_2, %dma_start3A_5] : memref<64x4096xf32, #tpu.memory_space<hbm>> -> memref<2x4096xf32, #tpu.memory_space<hbm>>
    %dma_start3A_7 = tpu.memref_slice %arg5[%dma_start3A] : memref<2x!tpu.dma_semaphore, #tpu.memory_space<semaphore_mem>> -> memref<1x!tpu.dma_semaphore, #tpu.memory_space<semaphore_mem>>
    %dma_start3A_8 = tpu.memref_squeeze %dma_start3A_7 : memref<1x!tpu.dma_semaphore, #tpu.memory_space<semaphore_mem>> -> memref<!tpu.dma_semaphore, #tpu.memory_space<semaphore_mem>>
    %dma_start3A_9 = arith.constant 0 : i32
    %dma_start3A_10 = tpu.memref_slice %arg2[%mul3A_2, %dma_start3A_9] : memref<64x4096xf32, #tpu.memory_space<hbm>> -> memref<2x4096xf32, #tpu.memory_space<hbm>>
    tpu.enqueue_dma source(%dma_start3A_10 : memref<2x4096xf32, #tpu.memory_space<hbm>>) target(%arg4 : memref<2x4096xf32, #tpu.memory_space<vmem>>) target_semaphore(%dma_start3A_8 : memref<!tpu.dma_semaphore, #tpu.memory_space<semaphore_mem>>)
    %dma_wait3A = arith.constant 0 : i32
    %dma_wait3A_11 = arith.constant 0 : i32
    %dma_wait3A_12 = tpu.memref_slice %arg2[%mul3A_2, %dma_wait3A_11] : memref<64x4096xf32, #tpu.memory_space<hbm>> -> memref<2x4096xf32, #tpu.memory_space<hbm>>
    %dma_wait3A_13 = tpu.memref_slice %arg5[%dma_wait3A] : memref<2x!tpu.dma_semaphore, #tpu.memory_space<semaphore_mem>> -> memref<1x!tpu.dma_semaphore, #tpu.memory_space<semaphore_mem>>
    %dma_wait3A_14 = tpu.memref_squeeze %dma_wait3A_13 : memref<1x!tpu.dma_semaphore, #tpu.memory_space<semaphore_mem>> -> memref<!tpu.dma_semaphore, #tpu.memory_space<semaphore_mem>>
    %dma_wait3A_15 = arith.constant 0 : i32
    %dma_wait3A_16 = tpu.memref_slice %arg2[%mul3A_2, %dma_wait3A_15] : memref<64x4096xf32, #tpu.memory_space<hbm>> -> memref<2x4096xf32, #tpu.memory_space<hbm>>
    tpu.wait_dma2 semaphore(%dma_wait3A_14 : memref<!tpu.dma_semaphore, #tpu.memory_space<semaphore_mem>>) src(%dma_wait3A_16 : memref<2x4096xf32, #tpu.memory_space<hbm>>) dst(%arg4 : memref<2x4096xf32, #tpu.memory_space<vmem>>)
    %dma_start3A_17 = arith.constant 1 : i32
    %dma_start3A_18 = arith.constant 0 : i32
    %dma_start3A_19 = tpu.memref_slice %arg3[%mul3A_4, %dma_start3A_18] : memref<64x4096xf32, #tpu.memory_space<hbm>> -> memref<2x4096xf32, #tpu.memory_space<hbm>>
    %dma_start3A_20 = tpu.memref_slice %arg5[%dma_start3A_17] : memref<2x!tpu.dma_semaphore, #tpu.memory_space<semaphore_mem>> -> memref<1x!tpu.dma_semaphore, #tpu.memory_space<semaphore_mem>>
    %dma_start3A_21 = tpu.memref_squeeze %dma_start3A_20 : memref<1x!tpu.dma_semaphore, #tpu.memory_space<semaphore_mem>> -> memref<!tpu.dma_semaphore, #tpu.memory_space<semaphore_mem>>
    %dma_start3A_22 = arith.constant 0 : i32
    %dma_start3A_23 = tpu.memref_slice %arg3[%mul3A_4, %dma_start3A_22] : memref<64x4096xf32, #tpu.memory_space<hbm>> -> memref<2x4096xf32, #tpu.memory_space<hbm>>
    tpu.enqueue_dma source(%arg4 : memref<2x4096xf32, #tpu.memory_space<vmem>>) target(%dma_start3A_23 : memref<2x4096xf32, #tpu.memory_space<hbm>>) target_semaphore(%dma_start3A_21 : memref<!tpu.dma_semaphore, #tpu.memory_space<semaphore_mem>>)
    %dma_wait3A_24 = arith.constant 1 : i32
    %dma_wait3A_25 = arith.constant 0 : i32
    %dma_wait3A_26 = tpu.memref_slice %arg3[%mul3A_4, %dma_wait3A_25] : memref<64x4096xf32, #tpu.memory_space<hbm>> -> memref<2x4096xf32, #tpu.memory_space<hbm>>
    %dma_wait3A_27 = tpu.memref_slice %arg5[%dma_wait3A_24] : memref<2x!tpu.dma_semaphore, #tpu.memory_space<semaphore_mem>> -> memref<1x!tpu.dma_semaphore, #tpu.memory_space<semaphore_mem>>
    %dma_wait3A_28 = tpu.memref_squeeze %dma_wait3A_27 : memref<1x!tpu.dma_semaphore, #tpu.memory_space<semaphore_mem>> -> memref<!tpu.dma_semaphore, #tpu.memory_space<semaphore_mem>>
    %dma_wait3A_29 = arith.constant 0 : i32
    %dma_wait3A_30 = tpu.memref_slice %arg3[%mul3A_4, %dma_wait3A_29] : memref<64x4096xf32, #tpu.memory_space<hbm>> -> memref<2x4096xf32, #tpu.memory_space<hbm>>
    tpu.wait_dma2 semaphore(%dma_wait3A_28 : memref<!tpu.dma_semaphore, #tpu.memory_space<semaphore_mem>>) src(%arg4 : memref<2x4096xf32, #tpu.memory_space<vmem>>) dst(%dma_wait3A_30 : memref<2x4096xf32, #tpu.memory_space<hbm>>)
    return
  }
}

module attributes {stable_mosaic.version = 14 : i64} {
  func.func @_tc_kernel(%arg0: memref<16x128x4096xf32, #tpu.memory_space<hbm>>, %arg1: memref<16x1x4096xf32, #tpu.memory_space<vmem>>, %arg2: memref<16x128x4096xf32, #tpu.memory_space<hbm>>, %arg3: memref<16x1x4096xi32, #tpu.memory_space<vmem>>, %arg4: memref<8x1x128x4096xf32, #tpu.memory_space<vmem>>, %arg5: memref<8x!tpu.dma_semaphore, #tpu.memory_space<semaphore_mem>>, %arg6: memref<8x!tpu.dma_semaphore, #tpu.memory_space<semaphore_mem>>) attributes {dimension_semantics = [], scalar_prefetch = 0 : i64, scratch_operands = 3 : i64, tpu.core_type = #tpu.core_type<tc>} {
    %dma_start3A = arith.constant 0 : i32
    %dma_start3A_0 = arith.constant 0 : i32
    %dma_start3A_1 = tpu.memref_slice %arg5[%dma_start3A_0] : memref<8x!tpu.dma_semaphore, #tpu.memory_space<semaphore_mem>> -> memref<1x!tpu.dma_semaphore, #tpu.memory_space<semaphore_mem>>
    %dma_start3A_2 = tpu.memref_squeeze %dma_start3A_1 : memref<1x!tpu.dma_semaphore, #tpu.memory_space<semaphore_mem>> -> memref<!tpu.dma_semaphore, #tpu.memory_space<semaphore_mem>>
    %dma_start3A_3 = arith.constant 0 : i32
    %dma_start3A_4 = arith.constant 0 : i32
    %dma_start3A_5 = arith.constant 0 : i32
    %dma_start3A_6 = tpu.memref_slice %arg4[%dma_start3A, %dma_start3A_3, %dma_start3A_4, %dma_start3A_5] : memref<8x1x128x4096xf32, #tpu.memory_space<vmem>> -> memref<1x1x128x4096xf32, #tpu.memory_space<vmem>>
    %dma_start3A_7 = tpu.memref_squeeze %dma_start3A_6 : memref<1x1x128x4096xf32, #tpu.memory_space<vmem>> -> memref<1x128x4096xf32, #tpu.memory_space<vmem>>
    %dma_start3A_8 = arith.constant 0 : i32
    %dma_start3A_9 = arith.constant 0 : i32
    %dma_start3A_10 = arith.constant 0 : i32
    %dma_start3A_11 = tpu.memref_slice %arg0[%dma_start3A_8, %dma_start3A_9, %dma_start3A_10] : memref<16x128x4096xf32, #tpu.memory_space<hbm>> -> memref<1x128x4096xf32, #tpu.memory_space<hbm>>
    tpu.enqueue_dma source(%dma_start3A_11 : memref<1x128x4096xf32, #tpu.memory_space<hbm>>) target(%dma_start3A_7 : memref<1x128x4096xf32, #tpu.memory_space<vmem>>) target_semaphore(%dma_start3A_2 : memref<!tpu.dma_semaphore, #tpu.memory_space<semaphore_mem>>)
    %dma_start3A_12 = arith.constant 1 : i32
    %dma_start3A_13 = arith.constant 1 : i32
    %dma_start3A_14 = tpu.memref_slice %arg5[%dma_start3A_13] : memref<8x!tpu.dma_semaphore, #tpu.memory_space<semaphore_mem>> -> memref<1x!tpu.dma_semaphore, #tpu.memory_space<semaphore_mem>>
    %dma_start3A_15 = tpu.memref_squeeze %dma_start3A_14 : memref<1x!tpu.dma_semaphore, #tpu.memory_space<semaphore_mem>> -> memref<!tpu.dma_semaphore, #tpu.memory_space<semaphore_mem>>
    %dma_start3A_16 = arith.constant 0 : i32
    %dma_start3A_17 = arith.constant 0 : i32
    %dma_start3A_18 = arith.constant 0 : i32
    %dma_start3A_19 = tpu.memref_slice %arg4[%dma_start3A_12, %dma_start3A_16, %dma_start3A_17, %dma_start3A_18] : memref<8x1x128x4096xf32, #tpu.memory_space<vmem>> -> memref<1x1x128x4096xf32, #tpu.memory_space<vmem>>
    %dma_start3A_20 = tpu.memref_squeeze %dma_start3A_19 : memref<1x1x128x4096xf32, #tpu.memory_space<vmem>> -> memref<1x128x4096xf32, #tpu.memory_space<vmem>>
    %dma_start3A_21 = arith.constant 1 : i32
    %dma_start3A_22 = arith.constant 0 : i32
    %dma_start3A_23 = arith.constant 0 : i32
    %dma_start3A_24 = tpu.memref_slice %arg0[%dma_start3A_21, %dma_start3A_22, %dma_start3A_23] : memref<16x128x4096xf32, #tpu.memory_space<hbm>> -> memref<1x128x4096xf32, #tpu.memory_space<hbm>>
    tpu.enqueue_dma source(%dma_start3A_24 : memref<1x128x4096xf32, #tpu.memory_space<hbm>>) target(%dma_start3A_20 : memref<1x128x4096xf32, #tpu.memory_space<vmem>>) target_semaphore(%dma_start3A_15 : memref<!tpu.dma_semaphore, #tpu.memory_space<semaphore_mem>>)
    %dma_start3A_25 = arith.constant 2 : i32
    %dma_start3A_26 = arith.constant 2 : i32
    %dma_start3A_27 = tpu.memref_slice %arg5[%dma_start3A_26] : memref<8x!tpu.dma_semaphore, #tpu.memory_space<semaphore_mem>> -> memref<1x!tpu.dma_semaphore, #tpu.memory_space<semaphore_mem>>
    %dma_start3A_28 = tpu.memref_squeeze %dma_start3A_27 : memref<1x!tpu.dma_semaphore, #tpu.memory_space<semaphore_mem>> -> memref<!tpu.dma_semaphore, #tpu.memory_space<semaphore_mem>>
    %dma_start3A_29 = arith.constant 0 : i32
    %dma_start3A_30 = arith.constant 0 : i32
    %dma_start3A_31 = arith.constant 0 : i32
    %dma_start3A_32 = tpu.memref_slice %arg4[%dma_start3A_25, %dma_start3A_29, %dma_start3A_30, %dma_start3A_31] : memref<8x1x128x4096xf32, #tpu.memory_space<vmem>> -> memref<1x1x128x4096xf32, #tpu.memory_space<vmem>>
    %dma_start3A_33 = tpu.memref_squeeze %dma_start3A_32 : memref<1x1x128x4096xf32, #tpu.memory_space<vmem>> -> memref<1x128x4096xf32, #tpu.memory_space<vmem>>
    %dma_start3A_34 = arith.constant 2 : i32
    %dma_start3A_35 = arith.constant 0 : i32
    %dma_start3A_36 = arith.constant 0 : i32
    %dma_start3A_37 = tpu.memref_slice %arg0[%dma_start3A_34, %dma_start3A_35, %dma_start3A_36] : memref<16x128x4096xf32, #tpu.memory_space<hbm>> -> memref<1x128x4096xf32, #tpu.memory_space<hbm>>
    tpu.enqueue_dma source(%dma_start3A_37 : memref<1x128x4096xf32, #tpu.memory_space<hbm>>) target(%dma_start3A_33 : memref<1x128x4096xf32, #tpu.memory_space<vmem>>) target_semaphore(%dma_start3A_28 : memref<!tpu.dma_semaphore, #tpu.memory_space<semaphore_mem>>)
    %dma_start3A_38 = arith.constant 3 : i32
    %dma_start3A_39 = arith.constant 3 : i32
    %dma_start3A_40 = tpu.memref_slice %arg5[%dma_start3A_39] : memref<8x!tpu.dma_semaphore, #tpu.memory_space<semaphore_mem>> -> memref<1x!tpu.dma_semaphore, #tpu.memory_space<semaphore_mem>>
    %dma_start3A_41 = tpu.memref_squeeze %dma_start3A_40 : memref<1x!tpu.dma_semaphore, #tpu.memory_space<semaphore_mem>> -> memref<!tpu.dma_semaphore, #tpu.memory_space<semaphore_mem>>
    %dma_start3A_42 = arith.constant 0 : i32
    %dma_start3A_43 = arith.constant 0 : i32
    %dma_start3A_44 = arith.constant 0 : i32
    %dma_start3A_45 = tpu.memref_slice %arg4[%dma_start3A_38, %dma_start3A_42, %dma_start3A_43, %dma_start3A_44] : memref<8x1x128x4096xf32, #tpu.memory_space<vmem>> -> memref<1x1x128x4096xf32, #tpu.memory_space<vmem>>
    %dma_start3A_46 = tpu.memref_squeeze %dma_start3A_45 : memref<1x1x128x4096xf32, #tpu.memory_space<vmem>> -> memref<1x128x4096xf32, #tpu.memory_space<vmem>>
    %dma_start3A_47 = arith.constant 3 : i32
    %dma_start3A_48 = arith.constant 0 : i32
    %dma_start3A_49 = arith.constant 0 : i32
    %dma_start3A_50 = tpu.memref_slice %arg0[%dma_start3A_47, %dma_start3A_48, %dma_start3A_49] : memref<16x128x4096xf32, #tpu.memory_space<hbm>> -> memref<1x128x4096xf32, #tpu.memory_space<hbm>>
    tpu.enqueue_dma source(%dma_start3A_50 : memref<1x128x4096xf32, #tpu.memory_space<hbm>>) target(%dma_start3A_46 : memref<1x128x4096xf32, #tpu.memory_space<vmem>>) target_semaphore(%dma_start3A_41 : memref<!tpu.dma_semaphore, #tpu.memory_space<semaphore_mem>>)
    %get3A = arith.constant 0 : index
    %get3A_51 = arith.constant 0 : index
    %get3A_52 = arith.constant 0 : index
    %get3A_53 = vector.load %arg1[%get3A, %get3A_51, %get3A_52] : memref<16x1x4096xf32, #tpu.memory_space<vmem>>, vector<16x1x4096xf32>
    %ne3A = arith.constant 0.000000e+00 : f32
    %ne3A_54 = vector.broadcast %ne3A : f32 to vector<16x1x4096xf32>
    %ne3A_55 = arith.cmpf one, %get3A_53, %ne3A_54 : vector<16x1x4096xf32>
    %swap3A = arith.constant 0 : index
    %swap3A_56 = arith.constant 0 : index
    %swap3A_57 = arith.constant 0 : index
    %swap3A_58 = vector.load %arg3[%swap3A, %swap3A_56, %swap3A_57] : memref<16x1x4096xi32, #tpu.memory_space<vmem>>, vector<16x1x4096xi32>
    %swap3A_59 = arith.extui %ne3A_55 : vector<16x1x4096xi1> to vector<16x1x4096xi32>
    %swap3A_60 = arith.constant dense<0> : vector<16x1x4096xi32>
    %swap3A_61 = arith.cmpi ne, %swap3A_58, %swap3A_60 : vector<16x1x4096xi32>
    tpu.vector_store %arg3[%swap3A, %swap3A_56, %swap3A_57], %swap3A_59 {strides = array<i32>} : memref<16x1x4096xi32, #tpu.memory_space<vmem>>, vector<16x1x4096xi32>,
    %dma_wait3A = arith.constant 0 : i32
    %dma_wait3A_62 = arith.constant 0 : i32
    %dma_wait3A_63 = tpu.memref_slice %arg5[%dma_wait3A_62] : memref<8x!tpu.dma_semaphore, #tpu.memory_space<semaphore_mem>> -> memref<1x!tpu.dma_semaphore, #tpu.memory_space<semaphore_mem>>
    %dma_wait3A_64 = tpu.memref_squeeze %dma_wait3A_63 : memref<1x!tpu.dma_semaphore, #tpu.memory_space<semaphore_mem>> -> memref<!tpu.dma_semaphore, #tpu.memory_space<semaphore_mem>>
    %dma_wait3A_65 = arith.constant 0 : i32
    %dma_wait3A_66 = arith.constant 0 : i32
    %dma_wait3A_67 = arith.constant 0 : i32
    %dma_wait3A_68 = tpu.memref_slice %arg4[%dma_wait3A, %dma_wait3A_65, %dma_wait3A_66, %dma_wait3A_67] : memref<8x1x128x4096xf32, #tpu.memory_space<vmem>> -> memref<1x1x128x4096xf32, #tpu.memory_space<vmem>>
    %dma_wait3A_69 = tpu.memref_squeeze %dma_wait3A_68 : memref<1x1x128x4096xf32, #tpu.memory_space<vmem>> -> memref<1x128x4096xf32, #tpu.memory_space<vmem>>
    %dma_wait3A_70 = arith.constant 0 : i32
    %dma_wait3A_71 = arith.constant 0 : i32
    %dma_wait3A_72 = arith.constant 0 : i32
    %dma_wait3A_73 = tpu.memref_slice %arg0[%dma_wait3A_70, %dma_wait3A_71, %dma_wait3A_72] : memref<16x128x4096xf32, #tpu.memory_space<hbm>> -> memref<1x128x4096xf32, #tpu.memory_space<hbm>>
    tpu.wait_dma2 semaphore(%dma_wait3A_64 : memref<!tpu.dma_semaphore, #tpu.memory_space<semaphore_mem>>) src(%dma_wait3A_73 : memref<1x128x4096xf32, #tpu.memory_space<hbm>>) dst(%dma_wait3A_69 : memref<1x128x4096xf32, #tpu.memory_space<vmem>>)
    %dma_start3A_74 = arith.constant 0 : i32
    %dma_start3A_75 = arith.constant 0 : i32
    %dma_start3A_76 = tpu.memref_slice %arg6[%dma_start3A_75] : memref<8x!tpu.dma_semaphore, #tpu.memory_space<semaphore_mem>> -> memref<1x!tpu.dma_semaphore, #tpu.memory_space<semaphore_mem>>
    %dma_start3A_77 = tpu.memref_squeeze %dma_start3A_76 : memref<1x!tpu.dma_semaphore, #tpu.memory_space<semaphore_mem>> -> memref<!tpu.dma_semaphore, #tpu.memory_space<semaphore_mem>>
    %dma_start3A_78 = arith.constant 0 : i32
    %dma_start3A_79 = arith.constant 0 : i32
    %dma_start3A_80 = arith.constant 0 : i32
    %dma_start3A_81 = tpu.memref_slice %arg2[%dma_start3A_78, %dma_start3A_79, %dma_start3A_80] : memref<16x128x4096xf32, #tpu.memory_space<hbm>> -> memref<1x128x4096xf32, #tpu.memory_space<hbm>>
    %dma_start3A_82 = arith.constant 0 : i32
    %dma_start3A_83 = arith.constant 0 : i32
    %dma_start3A_84 = arith.constant 0 : i32
    %dma_start3A_85 = tpu.memref_slice %arg4[%dma_start3A_74, %dma_start3A_82, %dma_start3A_83, %dma_start3A_84] : memref<8x1x128x4096xf32, #tpu.memory_space<vmem>> -> memref<1x1x128x4096xf32, #tpu.memory_space<vmem>>
    %dma_start3A_86 = tpu.memref_squeeze %dma_start3A_85 : memref<1x1x128x4096xf32, #tpu.memory_space<vmem>> -> memref<1x128x4096xf32, #tpu.memory_space<vmem>>
    tpu.enqueue_dma source(%dma_start3A_86 : memref<1x128x4096xf32, #tpu.memory_space<vmem>>) target(%dma_start3A_81 : memref<1x128x4096xf32, #tpu.memory_space<hbm>>) target_semaphore(%dma_start3A_77 : memref<!tpu.dma_semaphore, #tpu.memory_space<semaphore_mem>>)
    %dma_start3A_87 = arith.constant 4 : i32
    %dma_start3A_88 = arith.constant 4 : i32
    %dma_start3A_89 = tpu.memref_slice %arg5[%dma_start3A_88] : memref<8x!tpu.dma_semaphore, #tpu.memory_space<semaphore_mem>> -> memref<1x!tpu.dma_semaphore, #tpu.memory_space<semaphore_mem>>
    %dma_start3A_90 = tpu.memref_squeeze %dma_start3A_89 : memref<1x!tpu.dma_semaphore, #tpu.memory_space<semaphore_mem>> -> memref<!tpu.dma_semaphore, #tpu.memory_space<semaphore_mem>>
    %dma_start3A_91 = arith.constant 0 : i32
    %dma_start3A_92 = arith.constant 0 : i32
    %dma_start3A_93 = arith.constant 0 : i32
    %dma_start3A_94 = tpu.memref_slice %arg4[%dma_start3A_87, %dma_start3A_91, %dma_start3A_92, %dma_start3A_93] : memref<8x1x128x4096xf32, #tpu.memory_space<vmem>> -> memref<1x1x128x4096xf32, #tpu.memory_space<vmem>>
    %dma_start3A_95 = tpu.memref_squeeze %dma_start3A_94 : memref<1x1x128x4096xf32, #tpu.memory_space<vmem>> -> memref<1x128x4096xf32, #tpu.memory_space<vmem>>
    %dma_start3A_96 = arith.constant 4 : i32
    %dma_start3A_97 = arith.constant 0 : i32
    %dma_start3A_98 = arith.constant 0 : i32
    %dma_start3A_99 = tpu.memref_slice %arg0[%dma_start3A_96, %dma_start3A_97, %dma_start3A_98] : memref<16x128x4096xf32, #tpu.memory_space<hbm>> -> memref<1x128x4096xf32, #tpu.memory_space<hbm>>
    tpu.enqueue_dma source(%dma_start3A_99 : memref<1x128x4096xf32, #tpu.memory_space<hbm>>) target(%dma_start3A_95 : memref<1x128x4096xf32, #tpu.memory_space<vmem>>) target_semaphore(%dma_start3A_90 : memref<!tpu.dma_semaphore, #tpu.memory_space<semaphore_mem>>)
    %dma_wait3A_100 = arith.constant 1 : i32
    %dma_wait3A_101 = arith.constant 1 : i32
    %dma_wait3A_102 = tpu.memref_slice %arg5[%dma_wait3A_101] : memref<8x!tpu.dma_semaphore, #tpu.memory_space<semaphore_mem>> -> memref<1x!tpu.dma_semaphore, #tpu.memory_space<semaphore_mem>>
    %dma_wait3A_103 = tpu.memref_squeeze %dma_wait3A_102 : memref<1x!tpu.dma_semaphore, #tpu.memory_space<semaphore_mem>> -> memref<!tpu.dma_semaphore, #tpu.memory_space<semaphore_mem>>
    %dma_wait3A_104 = arith.constant 0 : i32
    %dma_wait3A_105 = arith.constant 0 : i32
    %dma_wait3A_106 = arith.constant 0 : i32
    %dma_wait3A_107 = tpu.memref_slice %arg4[%dma_wait3A_100, %dma_wait3A_104, %dma_wait3A_105, %dma_wait3A_106] : memref<8x1x128x4096xf32, #tpu.memory_space<vmem>> -> memref<1x1x128x4096xf32, #tpu.memory_space<vmem>>
    %dma_wait3A_108 = tpu.memref_squeeze %dma_wait3A_107 : memref<1x1x128x4096xf32, #tpu.memory_space<vmem>> -> memref<1x128x4096xf32, #tpu.memory_space<vmem>>
    %dma_wait3A_109 = arith.constant 1 : i32
    %dma_wait3A_110 = arith.constant 0 : i32
    %dma_wait3A_111 = arith.constant 0 : i32
    %dma_wait3A_112 = tpu.memref_slice %arg0[%dma_wait3A_109, %dma_wait3A_110, %dma_wait3A_111] : memref<16x128x4096xf32, #tpu.memory_space<hbm>> -> memref<1x128x4096xf32, #tpu.memory_space<hbm>>
    tpu.wait_dma2 semaphore(%dma_wait3A_103 : memref<!tpu.dma_semaphore, #tpu.memory_space<semaphore_mem>>) src(%dma_wait3A_112 : memref<1x128x4096xf32, #tpu.memory_space<hbm>>) dst(%dma_wait3A_108 : memref<1x128x4096xf32, #tpu.memory_space<vmem>>)
    %dma_start3A_113 = arith.constant 1 : i32
    %dma_start3A_114 = arith.constant 1 : i32
    %dma_start3A_115 = tpu.memref_slice %arg6[%dma_start3A_114] : memref<8x!tpu.dma_semaphore, #tpu.memory_space<semaphore_mem>> -> memref<1x!tpu.dma_semaphore, #tpu.memory_space<semaphore_mem>>
    %dma_start3A_116 = tpu.memref_squeeze %dma_start3A_115 : memref<1x!tpu.dma_semaphore, #tpu.memory_space<semaphore_mem>> -> memref<!tpu.dma_semaphore, #tpu.memory_space<semaphore_mem>>
    %dma_start3A_117 = arith.constant 1 : i32
    %dma_start3A_118 = arith.constant 0 : i32
    %dma_start3A_119 = arith.constant 0 : i32
    %dma_start3A_120 = tpu.memref_slice %arg2[%dma_start3A_117, %dma_start3A_118, %dma_start3A_119] : memref<16x128x4096xf32, #tpu.memory_space<hbm>> -> memref<1x128x4096xf32, #tpu.memory_space<hbm>>
    %dma_start3A_121 = arith.constant 0 : i32
    %dma_start3A_122 = arith.constant 0 : i32
    %dma_start3A_123 = arith.constant 0 : i32
    %dma_start3A_124 = tpu.memref_slice %arg4[%dma_start3A_113, %dma_start3A_121, %dma_start3A_122, %dma_start3A_123] : memref<8x1x128x4096xf32, #tpu.memory_space<vmem>> -> memref<1x1x128x4096xf32, #tpu.memory_space<vmem>>
    %dma_start3A_125 = tpu.memref_squeeze %dma_start3A_124 : memref<1x1x128x4096xf32, #tpu.memory_space<vmem>> -> memref<1x128x4096xf32, #tpu.memory_space<vmem>>
    tpu.enqueue_dma source(%dma_start3A_125 : memref<1x128x4096xf32, #tpu.memory_space<vmem>>) target(%dma_start3A_120 : memref<1x128x4096xf32, #tpu.memory_space<hbm>>) target_semaphore(%dma_start3A_116 : memref<!tpu.dma_semaphore, #tpu.memory_space<semaphore_mem>>)
    %dma_start3A_126 = arith.constant 5 : i32
    %dma_start3A_127 = arith.constant 5 : i32
    %dma_start3A_128 = tpu.memref_slice %arg5[%dma_start3A_127] : memref<8x!tpu.dma_semaphore, #tpu.memory_space<semaphore_mem>> -> memref<1x!tpu.dma_semaphore, #tpu.memory_space<semaphore_mem>>
    %dma_start3A_129 = tpu.memref_squeeze %dma_start3A_128 : memref<1x!tpu.dma_semaphore, #tpu.memory_space<semaphore_mem>> -> memref<!tpu.dma_semaphore, #tpu.memory_space<semaphore_mem>>
    %dma_start3A_130 = arith.constant 0 : i32
    %dma_start3A_131 = arith.constant 0 : i32
    %dma_start3A_132 = arith.constant 0 : i32
    %dma_start3A_133 = tpu.memref_slice %arg4[%dma_start3A_126, %dma_start3A_130, %dma_start3A_131, %dma_start3A_132] : memref<8x1x128x4096xf32, #tpu.memory_space<vmem>> -> memref<1x1x128x4096xf32, #tpu.memory_space<vmem>>
    %dma_start3A_134 = tpu.memref_squeeze %dma_start3A_133 : memref<1x1x128x4096xf32, #tpu.memory_space<vmem>> -> memref<1x128x4096xf32, #tpu.memory_space<vmem>>
    %dma_start3A_135 = arith.constant 5 : i32
    %dma_start3A_136 = arith.constant 0 : i32
    %dma_start3A_137 = arith.constant 0 : i32
    %dma_start3A_138 = tpu.memref_slice %arg0[%dma_start3A_135, %dma_start3A_136, %dma_start3A_137] : memref<16x128x4096xf32, #tpu.memory_space<hbm>> -> memref<1x128x4096xf32, #tpu.memory_space<hbm>>
    tpu.enqueue_dma source(%dma_start3A_138 : memref<1x128x4096xf32, #tpu.memory_space<hbm>>) target(%dma_start3A_134 : memref<1x128x4096xf32, #tpu.memory_space<vmem>>) target_semaphore(%dma_start3A_129 : memref<!tpu.dma_semaphore, #tpu.memory_space<semaphore_mem>>)
    %dma_wait3A_139 = arith.constant 2 : i32
    %dma_wait3A_140 = arith.constant 2 : i32
    %dma_wait3A_141 = tpu.memref_slice %arg5[%dma_wait3A_140] : memref<8x!tpu.dma_semaphore, #tpu.memory_space<semaphore_mem>> -> memref<1x!tpu.dma_semaphore, #tpu.memory_space<semaphore_mem>>
    %dma_wait3A_142 = tpu.memref_squeeze %dma_wait3A_141 : memref<1x!tpu.dma_semaphore, #tpu.memory_space<semaphore_mem>> -> memref<!tpu.dma_semaphore, #tpu.memory_space<semaphore_mem>>
    %dma_wait3A_143 = arith.constant 0 : i32
    %dma_wait3A_144 = arith.constant 0 : i32
    %dma_wait3A_145 = arith.constant 0 : i32
    %dma_wait3A_146 = tpu.memref_slice %arg4[%dma_wait3A_139, %dma_wait3A_143, %dma_wait3A_144, %dma_wait3A_145] : memref<8x1x128x4096xf32, #tpu.memory_space<vmem>> -> memref<1x1x128x4096xf32, #tpu.memory_space<vmem>>
    %dma_wait3A_147 = tpu.memref_squeeze %dma_wait3A_146 : memref<1x1x128x4096xf32, #tpu.memory_space<vmem>> -> memref<1x128x4096xf32, #tpu.memory_space<vmem>>
    %dma_wait3A_148 = arith.constant 2 : i32
    %dma_wait3A_149 = arith.constant 0 : i32
    %dma_wait3A_150 = arith.constant 0 : i32
    %dma_wait3A_151 = tpu.memref_slice %arg0[%dma_wait3A_148, %dma_wait3A_149, %dma_wait3A_150] : memref<16x128x4096xf32, #tpu.memory_space<hbm>> -> memref<1x128x4096xf32, #tpu.memory_space<hbm>>
    tpu.wait_dma2 semaphore(%dma_wait3A_142 : memref<!tpu.dma_semaphore, #tpu.memory_space<semaphore_mem>>) src(%dma_wait3A_151 : memref<1x128x4096xf32, #tpu.memory_space<hbm>>) dst(%dma_wait3A_147 : memref<1x128x4096xf32, #tpu.memory_space<vmem>>)
    %dma_start3A_152 = arith.constant 2 : i32
    %dma_start3A_153 = arith.constant 2 : i32
    %dma_start3A_154 = tpu.memref_slice %arg6[%dma_start3A_153] : memref<8x!tpu.dma_semaphore, #tpu.memory_space<semaphore_mem>> -> memref<1x!tpu.dma_semaphore, #tpu.memory_space<semaphore_mem>>
    %dma_start3A_155 = tpu.memref_squeeze %dma_start3A_154 : memref<1x!tpu.dma_semaphore, #tpu.memory_space<semaphore_mem>> -> memref<!tpu.dma_semaphore, #tpu.memory_space<semaphore_mem>>
    %dma_start3A_156 = arith.constant 2 : i32
    %dma_start3A_157 = arith.constant 0 : i32
    %dma_start3A_158 = arith.constant 0 : i32
    %dma_start3A_159 = tpu.memref_slice %arg2[%dma_start3A_156, %dma_start3A_157, %dma_start3A_158] : memref<16x128x4096xf32, #tpu.memory_space<hbm>> -> memref<1x128x4096xf32, #tpu.memory_space<hbm>>
    %dma_start3A_160 = arith.constant 0 : i32
    %dma_start3A_161 = arith.constant 0 : i32
    %dma_start3A_162 = arith.constant 0 : i32
    %dma_start3A_163 = tpu.memref_slice %arg4[%dma_start3A_152, %dma_start3A_160, %dma_start3A_161, %dma_start3A_162] : memref<8x1x128x4096xf32, #tpu.memory_space<vmem>> -> memref<1x1x128x4096xf32, #tpu.memory_space<vmem>>
    %dma_start3A_164 = tpu.memref_squeeze %dma_start3A_163 : memref<1x1x128x4096xf32, #tpu.memory_space<vmem>> -> memref<1x128x4096xf32, #tpu.memory_space<vmem>>
    tpu.enqueue_dma source(%dma_start3A_164 : memref<1x128x4096xf32, #tpu.memory_space<vmem>>) target(%dma_start3A_159 : memref<1x128x4096xf32, #tpu.memory_space<hbm>>) target_semaphore(%dma_start3A_155 : memref<!tpu.dma_semaphore, #tpu.memory_space<semaphore_mem>>)
    %dma_start3A_165 = arith.constant 6 : i32
    %dma_start3A_166 = arith.constant 6 : i32
    %dma_start3A_167 = tpu.memref_slice %arg5[%dma_start3A_166] : memref<8x!tpu.dma_semaphore, #tpu.memory_space<semaphore_mem>> -> memref<1x!tpu.dma_semaphore, #tpu.memory_space<semaphore_mem>>
    %dma_start3A_168 = tpu.memref_squeeze %dma_start3A_167 : memref<1x!tpu.dma_semaphore, #tpu.memory_space<semaphore_mem>> -> memref<!tpu.dma_semaphore, #tpu.memory_space<semaphore_mem>>
    %dma_start3A_169 = arith.constant 0 : i32
    %dma_start3A_170 = arith.constant 0 : i32
    %dma_start3A_171 = arith.constant 0 : i32
    %dma_start3A_172 = tpu.memref_slice %arg4[%dma_start3A_165, %dma_start3A_169, %dma_start3A_170, %dma_start3A_171] : memref<8x1x128x4096xf32, #tpu.memory_space<vmem>> -> memref<1x1x128x4096xf32, #tpu.memory_space<vmem>>
    %dma_start3A_173 = tpu.memref_squeeze %dma_start3A_172 : memref<1x1x128x4096xf32, #tpu.memory_space<vmem>> -> memref<1x128x4096xf32, #tpu.memory_space<vmem>>
    %dma_start3A_174 = arith.constant 6 : i32
    %dma_start3A_175 = arith.constant 0 : i32
    %dma_start3A_176 = arith.constant 0 : i32
    %dma_start3A_177 = tpu.memref_slice %arg0[%dma_start3A_174, %dma_start3A_175, %dma_start3A_176] : memref<16x128x4096xf32, #tpu.memory_space<hbm>> -> memref<1x128x4096xf32, #tpu.memory_space<hbm>>
    tpu.enqueue_dma source(%dma_start3A_177 : memref<1x128x4096xf32, #tpu.memory_space<hbm>>) target(%dma_start3A_173 : memref<1x128x4096xf32, #tpu.memory_space<vmem>>) target_semaphore(%dma_start3A_168 : memref<!tpu.dma_semaphore, #tpu.memory_space<semaphore_mem>>)
    %dma_wait3A_178 = arith.constant 3 : i32
    %dma_wait3A_179 = arith.constant 3 : i32
    %dma_wait3A_180 = tpu.memref_slice %arg5[%dma_wait3A_179] : memref<8x!tpu.dma_semaphore, #tpu.memory_space<semaphore_mem>> -> memref<1x!tpu.dma_semaphore, #tpu.memory_space<semaphore_mem>>
    %dma_wait3A_181 = tpu.memref_squeeze %dma_wait3A_180 : memref<1x!tpu.dma_semaphore, #tpu.memory_space<semaphore_mem>> -> memref<!tpu.dma_semaphore, #tpu.memory_space<semaphore_mem>>
    %dma_wait3A_182 = arith.constant 0 : i32
    %dma_wait3A_183 = arith.constant 0 : i32
    %dma_wait3A_184 = arith.constant 0 : i32
    %dma_wait3A_185 = tpu.memref_slice %arg4[%dma_wait3A_178, %dma_wait3A_182, %dma_wait3A_183, %dma_wait3A_184] : memref<8x1x128x4096xf32, #tpu.memory_space<vmem>> -> memref<1x1x128x4096xf32, #tpu.memory_space<vmem>>
    %dma_wait3A_186 = tpu.memref_squeeze %dma_wait3A_185 : memref<1x1x128x4096xf32, #tpu.memory_space<vmem>> -> memref<1x128x4096xf32, #tpu.memory_space<vmem>>
    %dma_wait3A_187 = arith.constant 3 : i32
    %dma_wait3A_188 = arith.constant 0 : i32
    %dma_wait3A_189 = arith.constant 0 : i32
    %dma_wait3A_190 = tpu.memref_slice %arg0[%dma_wait3A_187, %dma_wait3A_188, %dma_wait3A_189] : memref<16x128x4096xf32, #tpu.memory_space<hbm>> -> memref<1x128x4096xf32, #tpu.memory_space<hbm>>
    tpu.wait_dma2 semaphore(%dma_wait3A_181 : memref<!tpu.dma_semaphore, #tpu.memory_space<semaphore_mem>>) src(%dma_wait3A_190 : memref<1x128x4096xf32, #tpu.memory_space<hbm>>) dst(%dma_wait3A_186 : memref<1x128x4096xf32, #tpu.memory_space<vmem>>)
    %dma_start3A_191 = arith.constant 3 : i32
    %dma_start3A_192 = arith.constant 3 : i32
    %dma_start3A_193 = tpu.memref_slice %arg6[%dma_start3A_192] : memref<8x!tpu.dma_semaphore, #tpu.memory_space<semaphore_mem>> -> memref<1x!tpu.dma_semaphore, #tpu.memory_space<semaphore_mem>>
    %dma_start3A_194 = tpu.memref_squeeze %dma_start3A_193 : memref<1x!tpu.dma_semaphore, #tpu.memory_space<semaphore_mem>> -> memref<!tpu.dma_semaphore, #tpu.memory_space<semaphore_mem>>
    %dma_start3A_195 = arith.constant 3 : i32
    %dma_start3A_196 = arith.constant 0 : i32
    %dma_start3A_197 = arith.constant 0 : i32
    %dma_start3A_198 = tpu.memref_slice %arg2[%dma_start3A_195, %dma_start3A_196, %dma_start3A_197] : memref<16x128x4096xf32, #tpu.memory_space<hbm>> -> memref<1x128x4096xf32, #tpu.memory_space<hbm>>
    %dma_start3A_199 = arith.constant 0 : i32
    %dma_start3A_200 = arith.constant 0 : i32
    %dma_start3A_201 = arith.constant 0 : i32
    %dma_start3A_202 = tpu.memref_slice %arg4[%dma_start3A_191, %dma_start3A_199, %dma_start3A_200, %dma_start3A_201] : memref<8x1x128x4096xf32, #tpu.memory_space<vmem>> -> memref<1x1x128x4096xf32, #tpu.memory_space<vmem>>
    %dma_start3A_203 = tpu.memref_squeeze %dma_start3A_202 : memref<1x1x128x4096xf32, #tpu.memory_space<vmem>> -> memref<1x128x4096xf32, #tpu.memory_space<vmem>>
    tpu.enqueue_dma source(%dma_start3A_203 : memref<1x128x4096xf32, #tpu.memory_space<vmem>>) target(%dma_start3A_198 : memref<1x128x4096xf32, #tpu.memory_space<hbm>>) target_semaphore(%dma_start3A_194 : memref<!tpu.dma_semaphore, #tpu.memory_space<semaphore_mem>>)
    %dma_start3A_204 = arith.constant 7 : i32
    %dma_start3A_205 = arith.constant 7 : i32
    %dma_start3A_206 = tpu.memref_slice %arg5[%dma_start3A_205] : memref<8x!tpu.dma_semaphore, #tpu.memory_space<semaphore_mem>> -> memref<1x!tpu.dma_semaphore, #tpu.memory_space<semaphore_mem>>
    %dma_start3A_207 = tpu.memref_squeeze %dma_start3A_206 : memref<1x!tpu.dma_semaphore, #tpu.memory_space<semaphore_mem>> -> memref<!tpu.dma_semaphore, #tpu.memory_space<semaphore_mem>>
    %dma_start3A_208 = arith.constant 0 : i32
    %dma_start3A_209 = arith.constant 0 : i32
    %dma_start3A_210 = arith.constant 0 : i32
    %dma_start3A_211 = tpu.memref_slice %arg4[%dma_start3A_204, %dma_start3A_208, %dma_start3A_209, %dma_start3A_210] : memref<8x1x128x4096xf32, #tpu.memory_space<vmem>> -> memref<1x1x128x4096xf32, #tpu.memory_space<vmem>>
    %dma_start3A_212 = tpu.memref_squeeze %dma_start3A_211 : memref<1x1x128x4096xf32, #tpu.memory_space<vmem>> -> memref<1x128x4096xf32, #tpu.memory_space<vmem>>
    %dma_start3A_213 = arith.constant 7 : i32
    %dma_start3A_214 = arith.constant 0 : i32
    %dma_start3A_215 = arith.constant 0 : i32
    %dma_start3A_216 = tpu.memref_slice %arg0[%dma_start3A_213, %dma_start3A_214, %dma_start3A_215] : memref<16x128x4096xf32, #tpu.memory_space<hbm>> -> memref<1x128x4096xf32, #tpu.memory_space<hbm>>
    tpu.enqueue_dma source(%dma_start3A_216 : memref<1x128x4096xf32, #tpu.memory_space<hbm>>) target(%dma_start3A_212 : memref<1x128x4096xf32, #tpu.memory_space<vmem>>) target_semaphore(%dma_start3A_207 : memref<!tpu.dma_semaphore, #tpu.memory_space<semaphore_mem>>)
    %dma_wait3A_217 = arith.constant 4 : i32
    %dma_wait3A_218 = arith.constant 4 : i32
    %dma_wait3A_219 = tpu.memref_slice %arg5[%dma_wait3A_218] : memref<8x!tpu.dma_semaphore, #tpu.memory_space<semaphore_mem>> -> memref<1x!tpu.dma_semaphore, #tpu.memory_space<semaphore_mem>>
    %dma_wait3A_220 = tpu.memref_squeeze %dma_wait3A_219 : memref<1x!tpu.dma_semaphore, #tpu.memory_space<semaphore_mem>> -> memref<!tpu.dma_semaphore, #tpu.memory_space<semaphore_mem>>
    %dma_wait3A_221 = arith.constant 0 : i32
    %dma_wait3A_222 = arith.constant 0 : i32
    %dma_wait3A_223 = arith.constant 0 : i32
    %dma_wait3A_224 = tpu.memref_slice %arg4[%dma_wait3A_217, %dma_wait3A_221, %dma_wait3A_222, %dma_wait3A_223] : memref<8x1x128x4096xf32, #tpu.memory_space<vmem>> -> memref<1x1x128x4096xf32, #tpu.memory_space<vmem>>
    %dma_wait3A_225 = tpu.memref_squeeze %dma_wait3A_224 : memref<1x1x128x4096xf32, #tpu.memory_space<vmem>> -> memref<1x128x4096xf32, #tpu.memory_space<vmem>>
    %dma_wait3A_226 = arith.constant 4 : i32
    %dma_wait3A_227 = arith.constant 0 : i32
    %dma_wait3A_228 = arith.constant 0 : i32
    %dma_wait3A_229 = tpu.memref_slice %arg0[%dma_wait3A_226, %dma_wait3A_227, %dma_wait3A_228] : memref<16x128x4096xf32, #tpu.memory_space<hbm>> -> memref<1x128x4096xf32, #tpu.memory_space<hbm>>
    tpu.wait_dma2 semaphore(%dma_wait3A_220 : memref<!tpu.dma_semaphore, #tpu.memory_space<semaphore_mem>>) src(%dma_wait3A_229 : memref<1x128x4096xf32, #tpu.memory_space<hbm>>) dst(%dma_wait3A_225 : memref<1x128x4096xf32, #tpu.memory_space<vmem>>)
    %dma_start3A_230 = arith.constant 4 : i32
    %dma_start3A_231 = arith.constant 4 : i32
    %dma_start3A_232 = tpu.memref_slice %arg6[%dma_start3A_231] : memref<8x!tpu.dma_semaphore, #tpu.memory_space<semaphore_mem>> -> memref<1x!tpu.dma_semaphore, #tpu.memory_space<semaphore_mem>>
    %dma_start3A_233 = tpu.memref_squeeze %dma_start3A_232 : memref<1x!tpu.dma_semaphore, #tpu.memory_space<semaphore_mem>> -> memref<!tpu.dma_semaphore, #tpu.memory_space<semaphore_mem>>
    %dma_start3A_234 = arith.constant 4 : i32
    %dma_start3A_235 = arith.constant 0 : i32
    %dma_start3A_236 = arith.constant 0 : i32
    %dma_start3A_237 = tpu.memref_slice %arg2[%dma_start3A_234, %dma_start3A_235, %dma_start3A_236] : memref<16x128x4096xf32, #tpu.memory_space<hbm>> -> memref<1x128x4096xf32, #tpu.memory_space<hbm>>
    %dma_start3A_238 = arith.constant 0 : i32
    %dma_start3A_239 = arith.constant 0 : i32
    %dma_start3A_240 = arith.constant 0 : i32
    %dma_start3A_241 = tpu.memref_slice %arg4[%dma_start3A_230, %dma_start3A_238, %dma_start3A_239, %dma_start3A_240] : memref<8x1x128x4096xf32, #tpu.memory_space<vmem>> -> memref<1x1x128x4096xf32, #tpu.memory_space<vmem>>
    %dma_start3A_242 = tpu.memref_squeeze %dma_start3A_241 : memref<1x1x128x4096xf32, #tpu.memory_space<vmem>> -> memref<1x128x4096xf32, #tpu.memory_space<vmem>>
    tpu.enqueue_dma source(%dma_start3A_242 : memref<1x128x4096xf32, #tpu.memory_space<vmem>>) target(%dma_start3A_237 : memref<1x128x4096xf32, #tpu.memory_space<hbm>>) target_semaphore(%dma_start3A_233 : memref<!tpu.dma_semaphore, #tpu.memory_space<semaphore_mem>>)
    %dma_wait3A_243 = arith.constant 0 : i32
    %dma_wait3A_244 = arith.constant 0 : i32
    %dma_wait3A_245 = tpu.memref_slice %arg6[%dma_wait3A_244] : memref<8x!tpu.dma_semaphore, #tpu.memory_space<semaphore_mem>> -> memref<1x!tpu.dma_semaphore, #tpu.memory_space<semaphore_mem>>
    %dma_wait3A_246 = tpu.memref_squeeze %dma_wait3A_245 : memref<1x!tpu.dma_semaphore, #tpu.memory_space<semaphore_mem>> -> memref<!tpu.dma_semaphore, #tpu.memory_space<semaphore_mem>>
    %dma_wait3A_247 = arith.constant 0 : i32
    %dma_wait3A_248 = arith.constant 0 : i32
    %dma_wait3A_249 = arith.constant 0 : i32
    %dma_wait3A_250 = tpu.memref_slice %arg2[%dma_wait3A_247, %dma_wait3A_248, %dma_wait3A_249] : memref<16x128x4096xf32, #tpu.memory_space<hbm>> -> memref<1x128x4096xf32, #tpu.memory_space<hbm>>
    %dma_wait3A_251 = arith.constant 0 : i32
    %dma_wait3A_252 = arith.constant 0 : i32
    %dma_wait3A_253 = arith.constant 0 : i32
    %dma_wait3A_254 = tpu.memref_slice %arg4[%dma_wait3A_243, %dma_wait3A_251, %dma_wait3A_252, %dma_wait3A_253] : memref<8x1x128x4096xf32, #tpu.memory_space<vmem>> -> memref<1x1x128x4096xf32, #tpu.memory_space<vmem>>
    %dma_wait3A_255 = tpu.memref_squeeze %dma_wait3A_254 : memref<1x1x128x4096xf32, #tpu.memory_space<vmem>> -> memref<1x128x4096xf32, #tpu.memory_space<vmem>>
    tpu.wait_dma2 semaphore(%dma_wait3A_246 : memref<!tpu.dma_semaphore, #tpu.memory_space<semaphore_mem>>) src(%dma_wait3A_255 : memref<1x128x4096xf32, #tpu.memory_space<vmem>>) dst(%dma_wait3A_250 : memref<1x128x4096xf32, #tpu.memory_space<hbm>>)
    %dma_start3A_256 = arith.constant 0 : i32
    %dma_start3A_257 = arith.constant 0 : i32
    %dma_start3A_258 = tpu.memref_slice %arg5[%dma_start3A_257] : memref<8x!tpu.dma_semaphore, #tpu.memory_space<semaphore_mem>> -> memref<1x!tpu.dma_semaphore, #tpu.memory_space<semaphore_mem>>
    %dma_start3A_259 = tpu.memref_squeeze %dma_start3A_258 : memref<1x!tpu.dma_semaphore, #tpu.memory_space<semaphore_mem>> -> memref<!tpu.dma_semaphore, #tpu.memory_space<semaphore_mem>>
    %dma_start3A_260 = arith.constant 0 : i32
    %dma_start3A_261 = arith.constant 0 : i32
    %dma_start3A_262 = arith.constant 0 : i32
    %dma_start3A_263 = tpu.memref_slice %arg4[%dma_start3A_256, %dma_start3A_260, %dma_start3A_261, %dma_start3A_262] : memref<8x1x128x4096xf32, #tpu.memory_space<vmem>> -> memref<1x1x128x4096xf32, #tpu.memory_space<vmem>>
    %dma_start3A_264 = tpu.memref_squeeze %dma_start3A_263 : memref<1x1x128x4096xf32, #tpu.memory_space<vmem>> -> memref<1x128x4096xf32, #tpu.memory_space<vmem>>
    %dma_start3A_265 = arith.constant 8 : i32
    %dma_start3A_266 = arith.constant 0 : i32
    %dma_start3A_267 = arith.constant 0 : i32
    %dma_start3A_268 = tpu.memref_slice %arg0[%dma_start3A_265, %dma_start3A_266, %dma_start3A_267] : memref<16x128x4096xf32, #tpu.memory_space<hbm>> -> memref<1x128x4096xf32, #tpu.memory_space<hbm>>
    tpu.enqueue_dma source(%dma_start3A_268 : memref<1x128x4096xf32, #tpu.memory_space<hbm>>) target(%dma_start3A_264 : memref<1x128x4096xf32, #tpu.memory_space<vmem>>) target_semaphore(%dma_start3A_259 : memref<!tpu.dma_semaphore, #tpu.memory_space<semaphore_mem>>)
    %dma_wait3A_269 = arith.constant 5 : i32
    %dma_wait3A_270 = arith.constant 5 : i32
    %dma_wait3A_271 = tpu.memref_slice %arg5[%dma_wait3A_270] : memref<8x!tpu.dma_semaphore, #tpu.memory_space<semaphore_mem>> -> memref<1x!tpu.dma_semaphore, #tpu.memory_space<semaphore_mem>>
    %dma_wait3A_272 = tpu.memref_squeeze %dma_wait3A_271 : memref<1x!tpu.dma_semaphore, #tpu.memory_space<semaphore_mem>> -> memref<!tpu.dma_semaphore, #tpu.memory_space<semaphore_mem>>
    %dma_wait3A_273 = arith.constant 0 : i32
    %dma_wait3A_274 = arith.constant 0 : i32
    %dma_wait3A_275 = arith.constant 0 : i32
    %dma_wait3A_276 = tpu.memref_slice %arg4[%dma_wait3A_269, %dma_wait3A_273, %dma_wait3A_274, %dma_wait3A_275] : memref<8x1x128x4096xf32, #tpu.memory_space<vmem>> -> memref<1x1x128x4096xf32, #tpu.memory_space<vmem>>
    %dma_wait3A_277 = tpu.memref_squeeze %dma_wait3A_276 : memref<1x1x128x4096xf32, #tpu.memory_space<vmem>> -> memref<1x128x4096xf32, #tpu.memory_space<vmem>>
    %dma_wait3A_278 = arith.constant 5 : i32
    %dma_wait3A_279 = arith.constant 0 : i32
    %dma_wait3A_280 = arith.constant 0 : i32
    %dma_wait3A_281 = tpu.memref_slice %arg0[%dma_wait3A_278, %dma_wait3A_279, %dma_wait3A_280] : memref<16x128x4096xf32, #tpu.memory_space<hbm>> -> memref<1x128x4096xf32, #tpu.memory_space<hbm>>
    tpu.wait_dma2 semaphore(%dma_wait3A_272 : memref<!tpu.dma_semaphore, #tpu.memory_space<semaphore_mem>>) src(%dma_wait3A_281 : memref<1x128x4096xf32, #tpu.memory_space<hbm>>) dst(%dma_wait3A_277 : memref<1x128x4096xf32, #tpu.memory_space<vmem>>)
    %dma_start3A_282 = arith.constant 5 : i32
    %dma_start3A_283 = arith.constant 5 : i32
    %dma_start3A_284 = tpu.memref_slice %arg6[%dma_start3A_283] : memref<8x!tpu.dma_semaphore, #tpu.memory_space<semaphore_mem>> -> memref<1x!tpu.dma_semaphore, #tpu.memory_space<semaphore_mem>>
    %dma_start3A_285 = tpu.memref_squeeze %dma_start3A_284 : memref<1x!tpu.dma_semaphore, #tpu.memory_space<semaphore_mem>> -> memref<!tpu.dma_semaphore, #tpu.memory_space<semaphore_mem>>
    %dma_start3A_286 = arith.constant 5 : i32
    %dma_start3A_287 = arith.constant 0 : i32
    %dma_start3A_288 = arith.constant 0 : i32
    %dma_start3A_289 = tpu.memref_slice %arg2[%dma_start3A_286, %dma_start3A_287, %dma_start3A_288] : memref<16x128x4096xf32, #tpu.memory_space<hbm>> -> memref<1x128x4096xf32, #tpu.memory_space<hbm>>
    %dma_start3A_290 = arith.constant 0 : i32
    %dma_start3A_291 = arith.constant 0 : i32
    %dma_start3A_292 = arith.constant 0 : i32
    %dma_start3A_293 = tpu.memref_slice %arg4[%dma_start3A_282, %dma_start3A_290, %dma_start3A_291, %dma_start3A_292] : memref<8x1x128x4096xf32, #tpu.memory_space<vmem>> -> memref<1x1x128x4096xf32, #tpu.memory_space<vmem>>
    %dma_start3A_294 = tpu.memref_squeeze %dma_start3A_293 : memref<1x1x128x4096xf32, #tpu.memory_space<vmem>> -> memref<1x128x4096xf32, #tpu.memory_space<vmem>>
    tpu.enqueue_dma source(%dma_start3A_294 : memref<1x128x4096xf32, #tpu.memory_space<vmem>>) target(%dma_start3A_289 : memref<1x128x4096xf32, #tpu.memory_space<hbm>>) target_semaphore(%dma_start3A_285 : memref<!tpu.dma_semaphore, #tpu.memory_space<semaphore_mem>>)
    %dma_wait3A_295 = arith.constant 1 : i32
    %dma_wait3A_296 = arith.constant 1 : i32
    %dma_wait3A_297 = tpu.memref_slice %arg6[%dma_wait3A_296] : memref<8x!tpu.dma_semaphore, #tpu.memory_space<semaphore_mem>> -> memref<1x!tpu.dma_semaphore, #tpu.memory_space<semaphore_mem>>
    %dma_wait3A_298 = tpu.memref_squeeze %dma_wait3A_297 : memref<1x!tpu.dma_semaphore, #tpu.memory_space<semaphore_mem>> -> memref<!tpu.dma_semaphore, #tpu.memory_space<semaphore_mem>>
    %dma_wait3A_299 = arith.constant 1 : i32
    %dma_wait3A_300 = arith.constant 0 : i32
    %dma_wait3A_301 = arith.constant 0 : i32
    %dma_wait3A_302 = tpu.memref_slice %arg2[%dma_wait3A_299, %dma_wait3A_300, %dma_wait3A_301] : memref<16x128x4096xf32, #tpu.memory_space<hbm>> -> memref<1x128x4096xf32, #tpu.memory_space<hbm>>
    %dma_wait3A_303 = arith.constant 0 : i32
    %dma_wait3A_304 = arith.constant 0 : i32
    %dma_wait3A_305 = arith.constant 0 : i32
    %dma_wait3A_306 = tpu.memref_slice %arg4[%dma_wait3A_295, %dma_wait3A_303, %dma_wait3A_304, %dma_wait3A_305] : memref<8x1x128x4096xf32, #tpu.memory_space<vmem>> -> memref<1x1x128x4096xf32, #tpu.memory_space<vmem>>
    %dma_wait3A_307 = tpu.memref_squeeze %dma_wait3A_306 : memref<1x1x128x4096xf32, #tpu.memory_space<vmem>> -> memref<1x128x4096xf32, #tpu.memory_space<vmem>>
    tpu.wait_dma2 semaphore(%dma_wait3A_298 : memref<!tpu.dma_semaphore, #tpu.memory_space<semaphore_mem>>) src(%dma_wait3A_307 : memref<1x128x4096xf32, #tpu.memory_space<vmem>>) dst(%dma_wait3A_302 : memref<1x128x4096xf32, #tpu.memory_space<hbm>>)
    %dma_start3A_308 = arith.constant 1 : i32
    %dma_start3A_309 = arith.constant 1 : i32
    %dma_start3A_310 = tpu.memref_slice %arg5[%dma_start3A_309] : memref<8x!tpu.dma_semaphore, #tpu.memory_space<semaphore_mem>> -> memref<1x!tpu.dma_semaphore, #tpu.memory_space<semaphore_mem>>
    %dma_start3A_311 = tpu.memref_squeeze %dma_start3A_310 : memref<1x!tpu.dma_semaphore, #tpu.memory_space<semaphore_mem>> -> memref<!tpu.dma_semaphore, #tpu.memory_space<semaphore_mem>>
    %dma_start3A_312 = arith.constant 0 : i32
    %dma_start3A_313 = arith.constant 0 : i32
    %dma_start3A_314 = arith.constant 0 : i32
    %dma_start3A_315 = tpu.memref_slice %arg4[%dma_start3A_308, %dma_start3A_312, %dma_start3A_313, %dma_start3A_314] : memref<8x1x128x4096xf32, #tpu.memory_space<vmem>> -> memref<1x1x128x4096xf32, #tpu.memory_space<vmem>>
    %dma_start3A_316 = tpu.memref_squeeze %dma_start3A_315 : memref<1x1x128x4096xf32, #tpu.memory_space<vmem>> -> memref<1x128x4096xf32, #tpu.memory_space<vmem>>
    %dma_start3A_317 = arith.constant 9 : i32
    %dma_start3A_318 = arith.constant 0 : i32
    %dma_start3A_319 = arith.constant 0 : i32
    %dma_start3A_320 = tpu.memref_slice %arg0[%dma_start3A_317, %dma_start3A_318, %dma_start3A_319] : memref<16x128x4096xf32, #tpu.memory_space<hbm>> -> memref<1x128x4096xf32, #tpu.memory_space<hbm>>
    tpu.enqueue_dma source(%dma_start3A_320 : memref<1x128x4096xf32, #tpu.memory_space<hbm>>) target(%dma_start3A_316 : memref<1x128x4096xf32, #tpu.memory_space<vmem>>) target_semaphore(%dma_start3A_311 : memref<!tpu.dma_semaphore, #tpu.memory_space<semaphore_mem>>)
    %dma_wait3A_321 = arith.constant 6 : i32
    %dma_wait3A_322 = arith.constant 6 : i32
    %dma_wait3A_323 = tpu.memref_slice %arg5[%dma_wait3A_322] : memref<8x!tpu.dma_semaphore, #tpu.memory_space<semaphore_mem>> -> memref<1x!tpu.dma_semaphore, #tpu.memory_space<semaphore_mem>>
    %dma_wait3A_324 = tpu.memref_squeeze %dma_wait3A_323 : memref<1x!tpu.dma_semaphore, #tpu.memory_space<semaphore_mem>> -> memref<!tpu.dma_semaphore, #tpu.memory_space<semaphore_mem>>
    %dma_wait3A_325 = arith.constant 0 : i32
    %dma_wait3A_326 = arith.constant 0 : i32
    %dma_wait3A_327 = arith.constant 0 : i32
    %dma_wait3A_328 = tpu.memref_slice %arg4[%dma_wait3A_321, %dma_wait3A_325, %dma_wait3A_326, %dma_wait3A_327] : memref<8x1x128x4096xf32, #tpu.memory_space<vmem>> -> memref<1x1x128x4096xf32, #tpu.memory_space<vmem>>
    %dma_wait3A_329 = tpu.memref_squeeze %dma_wait3A_328 : memref<1x1x128x4096xf32, #tpu.memory_space<vmem>> -> memref<1x128x4096xf32, #tpu.memory_space<vmem>>
    %dma_wait3A_330 = arith.constant 6 : i32
    %dma_wait3A_331 = arith.constant 0 : i32
    %dma_wait3A_332 = arith.constant 0 : i32
    %dma_wait3A_333 = tpu.memref_slice %arg0[%dma_wait3A_330, %dma_wait3A_331, %dma_wait3A_332] : memref<16x128x4096xf32, #tpu.memory_space<hbm>> -> memref<1x128x4096xf32, #tpu.memory_space<hbm>>
    tpu.wait_dma2 semaphore(%dma_wait3A_324 : memref<!tpu.dma_semaphore, #tpu.memory_space<semaphore_mem>>) src(%dma_wait3A_333 : memref<1x128x4096xf32, #tpu.memory_space<hbm>>) dst(%dma_wait3A_329 : memref<1x128x4096xf32, #tpu.memory_space<vmem>>)
    %dma_start3A_334 = arith.constant 6 : i32
    %dma_start3A_335 = arith.constant 6 : i32
    %dma_start3A_336 = tpu.memref_slice %arg6[%dma_start3A_335] : memref<8x!tpu.dma_semaphore, #tpu.memory_space<semaphore_mem>> -> memref<1x!tpu.dma_semaphore, #tpu.memory_space<semaphore_mem>>
    %dma_start3A_337 = tpu.memref_squeeze %dma_start3A_336 : memref<1x!tpu.dma_semaphore, #tpu.memory_space<semaphore_mem>> -> memref<!tpu.dma_semaphore, #tpu.memory_space<semaphore_mem>>
    %dma_start3A_338 = arith.constant 6 : i32
    %dma_start3A_339 = arith.constant 0 : i32
    %dma_start3A_340 = arith.constant 0 : i32
    %dma_start3A_341 = tpu.memref_slice %arg2[%dma_start3A_338, %dma_start3A_339, %dma_start3A_340] : memref<16x128x4096xf32, #tpu.memory_space<hbm>> -> memref<1x128x4096xf32, #tpu.memory_space<hbm>>
    %dma_start3A_342 = arith.constant 0 : i32
    %dma_start3A_343 = arith.constant 0 : i32
    %dma_start3A_344 = arith.constant 0 : i32
    %dma_start3A_345 = tpu.memref_slice %arg4[%dma_start3A_334, %dma_start3A_342, %dma_start3A_343, %dma_start3A_344] : memref<8x1x128x4096xf32, #tpu.memory_space<vmem>> -> memref<1x1x128x4096xf32, #tpu.memory_space<vmem>>
    %dma_start3A_346 = tpu.memref_squeeze %dma_start3A_345 : memref<1x1x128x4096xf32, #tpu.memory_space<vmem>> -> memref<1x128x4096xf32, #tpu.memory_space<vmem>>
    tpu.enqueue_dma source(%dma_start3A_346 : memref<1x128x4096xf32, #tpu.memory_space<vmem>>) target(%dma_start3A_341 : memref<1x128x4096xf32, #tpu.memory_space<hbm>>) target_semaphore(%dma_start3A_337 : memref<!tpu.dma_semaphore, #tpu.memory_space<semaphore_mem>>)
    %dma_wait3A_347 = arith.constant 2 : i32
    %dma_wait3A_348 = arith.constant 2 : i32
    %dma_wait3A_349 = tpu.memref_slice %arg6[%dma_wait3A_348] : memref<8x!tpu.dma_semaphore, #tpu.memory_space<semaphore_mem>> -> memref<1x!tpu.dma_semaphore, #tpu.memory_space<semaphore_mem>>
    %dma_wait3A_350 = tpu.memref_squeeze %dma_wait3A_349 : memref<1x!tpu.dma_semaphore, #tpu.memory_space<semaphore_mem>> -> memref<!tpu.dma_semaphore, #tpu.memory_space<semaphore_mem>>
    %dma_wait3A_351 = arith.constant 2 : i32
    %dma_wait3A_352 = arith.constant 0 : i32
    %dma_wait3A_353 = arith.constant 0 : i32
    %dma_wait3A_354 = tpu.memref_slice %arg2[%dma_wait3A_351, %dma_wait3A_352, %dma_wait3A_353] : memref<16x128x4096xf32, #tpu.memory_space<hbm>> -> memref<1x128x4096xf32, #tpu.memory_space<hbm>>
    %dma_wait3A_355 = arith.constant 0 : i32
    %dma_wait3A_356 = arith.constant 0 : i32
    %dma_wait3A_357 = arith.constant 0 : i32
    %dma_wait3A_358 = tpu.memref_slice %arg4[%dma_wait3A_347, %dma_wait3A_355, %dma_wait3A_356, %dma_wait3A_357] : memref<8x1x128x4096xf32, #tpu.memory_space<vmem>> -> memref<1x1x128x4096xf32, #tpu.memory_space<vmem>>
    %dma_wait3A_359 = tpu.memref_squeeze %dma_wait3A_358 : memref<1x1x128x4096xf32, #tpu.memory_space<vmem>> -> memref<1x128x4096xf32, #tpu.memory_space<vmem>>
    tpu.wait_dma2 semaphore(%dma_wait3A_350 : memref<!tpu.dma_semaphore, #tpu.memory_space<semaphore_mem>>) src(%dma_wait3A_359 : memref<1x128x4096xf32, #tpu.memory_space<vmem>>) dst(%dma_wait3A_354 : memref<1x128x4096xf32, #tpu.memory_space<hbm>>)
    %dma_start3A_360 = arith.constant 2 : i32
    %dma_start3A_361 = arith.constant 2 : i32
    %dma_start3A_362 = tpu.memref_slice %arg5[%dma_start3A_361] : memref<8x!tpu.dma_semaphore, #tpu.memory_space<semaphore_mem>> -> memref<1x!tpu.dma_semaphore, #tpu.memory_space<semaphore_mem>>
    %dma_start3A_363 = tpu.memref_squeeze %dma_start3A_362 : memref<1x!tpu.dma_semaphore, #tpu.memory_space<semaphore_mem>> -> memref<!tpu.dma_semaphore, #tpu.memory_space<semaphore_mem>>
    %dma_start3A_364 = arith.constant 0 : i32
    %dma_start3A_365 = arith.constant 0 : i32
    %dma_start3A_366 = arith.constant 0 : i32
    %dma_start3A_367 = tpu.memref_slice %arg4[%dma_start3A_360, %dma_start3A_364, %dma_start3A_365, %dma_start3A_366] : memref<8x1x128x4096xf32, #tpu.memory_space<vmem>> -> memref<1x1x128x4096xf32, #tpu.memory_space<vmem>>
    %dma_start3A_368 = tpu.memref_squeeze %dma_start3A_367 : memref<1x1x128x4096xf32, #tpu.memory_space<vmem>> -> memref<1x128x4096xf32, #tpu.memory_space<vmem>>
    %dma_start3A_369 = arith.constant 10 : i32
    %dma_start3A_370 = arith.constant 0 : i32
    %dma_start3A_371 = arith.constant 0 : i32
    %dma_start3A_372 = tpu.memref_slice %arg0[%dma_start3A_369, %dma_start3A_370, %dma_start3A_371] : memref<16x128x4096xf32, #tpu.memory_space<hbm>> -> memref<1x128x4096xf32, #tpu.memory_space<hbm>>
    tpu.enqueue_dma source(%dma_start3A_372 : memref<1x128x4096xf32, #tpu.memory_space<hbm>>) target(%dma_start3A_368 : memref<1x128x4096xf32, #tpu.memory_space<vmem>>) target_semaphore(%dma_start3A_363 : memref<!tpu.dma_semaphore, #tpu.memory_space<semaphore_mem>>)
    %dma_wait3A_373 = arith.constant 7 : i32
    %dma_wait3A_374 = arith.constant 7 : i32
    %dma_wait3A_375 = tpu.memref_slice %arg5[%dma_wait3A_374] : memref<8x!tpu.dma_semaphore, #tpu.memory_space<semaphore_mem>> -> memref<1x!tpu.dma_semaphore, #tpu.memory_space<semaphore_mem>>
    %dma_wait3A_376 = tpu.memref_squeeze %dma_wait3A_375 : memref<1x!tpu.dma_semaphore, #tpu.memory_space<semaphore_mem>> -> memref<!tpu.dma_semaphore, #tpu.memory_space<semaphore_mem>>
    %dma_wait3A_377 = arith.constant 0 : i32
    %dma_wait3A_378 = arith.constant 0 : i32
    %dma_wait3A_379 = arith.constant 0 : i32
    %dma_wait3A_380 = tpu.memref_slice %arg4[%dma_wait3A_373, %dma_wait3A_377, %dma_wait3A_378, %dma_wait3A_379] : memref<8x1x128x4096xf32, #tpu.memory_space<vmem>> -> memref<1x1x128x4096xf32, #tpu.memory_space<vmem>>
    %dma_wait3A_381 = tpu.memref_squeeze %dma_wait3A_380 : memref<1x1x128x4096xf32, #tpu.memory_space<vmem>> -> memref<1x128x4096xf32, #tpu.memory_space<vmem>>
    %dma_wait3A_382 = arith.constant 7 : i32
    %dma_wait3A_383 = arith.constant 0 : i32
    %dma_wait3A_384 = arith.constant 0 : i32
    %dma_wait3A_385 = tpu.memref_slice %arg0[%dma_wait3A_382, %dma_wait3A_383, %dma_wait3A_384] : memref<16x128x4096xf32, #tpu.memory_space<hbm>> -> memref<1x128x4096xf32, #tpu.memory_space<hbm>>
    tpu.wait_dma2 semaphore(%dma_wait3A_376 : memref<!tpu.dma_semaphore, #tpu.memory_space<semaphore_mem>>) src(%dma_wait3A_385 : memref<1x128x4096xf32, #tpu.memory_space<hbm>>) dst(%dma_wait3A_381 : memref<1x128x4096xf32, #tpu.memory_space<vmem>>)
    %dma_start3A_386 = arith.constant 7 : i32
    %dma_start3A_387 = arith.constant 7 : i32
    %dma_start3A_388 = tpu.memref_slice %arg6[%dma_start3A_387] : memref<8x!tpu.dma_semaphore, #tpu.memory_space<semaphore_mem>> -> memref<1x!tpu.dma_semaphore, #tpu.memory_space<semaphore_mem>>
    %dma_start3A_389 = tpu.memref_squeeze %dma_start3A_388 : memref<1x!tpu.dma_semaphore, #tpu.memory_space<semaphore_mem>> -> memref<!tpu.dma_semaphore, #tpu.memory_space<semaphore_mem>>
    %dma_start3A_390 = arith.constant 7 : i32
    %dma_start3A_391 = arith.constant 0 : i32
    %dma_start3A_392 = arith.constant 0 : i32
    %dma_start3A_393 = tpu.memref_slice %arg2[%dma_start3A_390, %dma_start3A_391, %dma_start3A_392] : memref<16x128x4096xf32, #tpu.memory_space<hbm>> -> memref<1x128x4096xf32, #tpu.memory_space<hbm>>
    %dma_start3A_394 = arith.constant 0 : i32
    %dma_start3A_395 = arith.constant 0 : i32
    %dma_start3A_396 = arith.constant 0 : i32
    %dma_start3A_397 = tpu.memref_slice %arg4[%dma_start3A_386, %dma_start3A_394, %dma_start3A_395, %dma_start3A_396] : memref<8x1x128x4096xf32, #tpu.memory_space<vmem>> -> memref<1x1x128x4096xf32, #tpu.memory_space<vmem>>
    %dma_start3A_398 = tpu.memref_squeeze %dma_start3A_397 : memref<1x1x128x4096xf32, #tpu.memory_space<vmem>> -> memref<1x128x4096xf32, #tpu.memory_space<vmem>>
    tpu.enqueue_dma source(%dma_start3A_398 : memref<1x128x4096xf32, #tpu.memory_space<vmem>>) target(%dma_start3A_393 : memref<1x128x4096xf32, #tpu.memory_space<hbm>>) target_semaphore(%dma_start3A_389 : memref<!tpu.dma_semaphore, #tpu.memory_space<semaphore_mem>>)
    %dma_wait3A_399 = arith.constant 3 : i32
    %dma_wait3A_400 = arith.constant 3 : i32
    %dma_wait3A_401 = tpu.memref_slice %arg6[%dma_wait3A_400] : memref<8x!tpu.dma_semaphore, #tpu.memory_space<semaphore_mem>> -> memref<1x!tpu.dma_semaphore, #tpu.memory_space<semaphore_mem>>
    %dma_wait3A_402 = tpu.memref_squeeze %dma_wait3A_401 : memref<1x!tpu.dma_semaphore, #tpu.memory_space<semaphore_mem>> -> memref<!tpu.dma_semaphore, #tpu.memory_space<semaphore_mem>>
    %dma_wait3A_403 = arith.constant 3 : i32
    %dma_wait3A_404 = arith.constant 0 : i32
    %dma_wait3A_405 = arith.constant 0 : i32
    %dma_wait3A_406 = tpu.memref_slice %arg2[%dma_wait3A_403, %dma_wait3A_404, %dma_wait3A_405] : memref<16x128x4096xf32, #tpu.memory_space<hbm>> -> memref<1x128x4096xf32, #tpu.memory_space<hbm>>
    %dma_wait3A_407 = arith.constant 0 : i32
    %dma_wait3A_408 = arith.constant 0 : i32
    %dma_wait3A_409 = arith.constant 0 : i32
    %dma_wait3A_410 = tpu.memref_slice %arg4[%dma_wait3A_399, %dma_wait3A_407, %dma_wait3A_408, %dma_wait3A_409] : memref<8x1x128x4096xf32, #tpu.memory_space<vmem>> -> memref<1x1x128x4096xf32, #tpu.memory_space<vmem>>
    %dma_wait3A_411 = tpu.memref_squeeze %dma_wait3A_410 : memref<1x1x128x4096xf32, #tpu.memory_space<vmem>> -> memref<1x128x4096xf32, #tpu.memory_space<vmem>>
    tpu.wait_dma2 semaphore(%dma_wait3A_402 : memref<!tpu.dma_semaphore, #tpu.memory_space<semaphore_mem>>) src(%dma_wait3A_411 : memref<1x128x4096xf32, #tpu.memory_space<vmem>>) dst(%dma_wait3A_406 : memref<1x128x4096xf32, #tpu.memory_space<hbm>>)
    %dma_start3A_412 = arith.constant 3 : i32
    %dma_start3A_413 = arith.constant 3 : i32
    %dma_start3A_414 = tpu.memref_slice %arg5[%dma_start3A_413] : memref<8x!tpu.dma_semaphore, #tpu.memory_space<semaphore_mem>> -> memref<1x!tpu.dma_semaphore, #tpu.memory_space<semaphore_mem>>
    %dma_start3A_415 = tpu.memref_squeeze %dma_start3A_414 : memref<1x!tpu.dma_semaphore, #tpu.memory_space<semaphore_mem>> -> memref<!tpu.dma_semaphore, #tpu.memory_space<semaphore_mem>>
    %dma_start3A_416 = arith.constant 0 : i32
    %dma_start3A_417 = arith.constant 0 : i32
    %dma_start3A_418 = arith.constant 0 : i32
    %dma_start3A_419 = tpu.memref_slice %arg4[%dma_start3A_412, %dma_start3A_416, %dma_start3A_417, %dma_start3A_418] : memref<8x1x128x4096xf32, #tpu.memory_space<vmem>> -> memref<1x1x128x4096xf32, #tpu.memory_space<vmem>>
    %dma_start3A_420 = tpu.memref_squeeze %dma_start3A_419 : memref<1x1x128x4096xf32, #tpu.memory_space<vmem>> -> memref<1x128x4096xf32, #tpu.memory_space<vmem>>
    %dma_start3A_421 = arith.constant 11 : i32
    %dma_start3A_422 = arith.constant 0 : i32
    %dma_start3A_423 = arith.constant 0 : i32
    %dma_start3A_424 = tpu.memref_slice %arg0[%dma_start3A_421, %dma_start3A_422, %dma_start3A_423] : memref<16x128x4096xf32, #tpu.memory_space<hbm>> -> memref<1x128x4096xf32, #tpu.memory_space<hbm>>
    tpu.enqueue_dma source(%dma_start3A_424 : memref<1x128x4096xf32, #tpu.memory_space<hbm>>) target(%dma_start3A_420 : memref<1x128x4096xf32, #tpu.memory_space<vmem>>) target_semaphore(%dma_start3A_415 : memref<!tpu.dma_semaphore, #tpu.memory_space<semaphore_mem>>)
    %dma_wait3A_425 = arith.constant 0 : i32
    %dma_wait3A_426 = arith.constant 0 : i32
    %dma_wait3A_427 = tpu.memref_slice %arg5[%dma_wait3A_426] : memref<8x!tpu.dma_semaphore, #tpu.memory_space<semaphore_mem>> -> memref<1x!tpu.dma_semaphore, #tpu.memory_space<semaphore_mem>>
    %dma_wait3A_428 = tpu.memref_squeeze %dma_wait3A_427 : memref<1x!tpu.dma_semaphore, #tpu.memory_space<semaphore_mem>> -> memref<!tpu.dma_semaphore, #tpu.memory_space<semaphore_mem>>
    %dma_wait3A_429 = arith.constant 0 : i32
    %dma_wait3A_430 = arith.constant 0 : i32
    %dma_wait3A_431 = arith.constant 0 : i32
    %dma_wait3A_432 = tpu.memref_slice %arg4[%dma_wait3A_425, %dma_wait3A_429, %dma_wait3A_430, %dma_wait3A_431] : memref<8x1x128x4096xf32, #tpu.memory_space<vmem>> -> memref<1x1x128x4096xf32, #tpu.memory_space<vmem>>
    %dma_wait3A_433 = tpu.memref_squeeze %dma_wait3A_432 : memref<1x1x128x4096xf32, #tpu.memory_space<vmem>> -> memref<1x128x4096xf32, #tpu.memory_space<vmem>>
    %dma_wait3A_434 = arith.constant 8 : i32
    %dma_wait3A_435 = arith.constant 0 : i32
    %dma_wait3A_436 = arith.constant 0 : i32
    %dma_wait3A_437 = tpu.memref_slice %arg0[%dma_wait3A_434, %dma_wait3A_435, %dma_wait3A_436] : memref<16x128x4096xf32, #tpu.memory_space<hbm>> -> memref<1x128x4096xf32, #tpu.memory_space<hbm>>
    tpu.wait_dma2 semaphore(%dma_wait3A_428 : memref<!tpu.dma_semaphore, #tpu.memory_space<semaphore_mem>>) src(%dma_wait3A_437 : memref<1x128x4096xf32, #tpu.memory_space<hbm>>) dst(%dma_wait3A_433 : memref<1x128x4096xf32, #tpu.memory_space<vmem>>)
    %dma_start3A_438 = arith.constant 0 : i32
    %dma_start3A_439 = arith.constant 0 : i32
    %dma_start3A_440 = tpu.memref_slice %arg6[%dma_start3A_439] : memref<8x!tpu.dma_semaphore, #tpu.memory_space<semaphore_mem>> -> memref<1x!tpu.dma_semaphore, #tpu.memory_space<semaphore_mem>>
    %dma_start3A_441 = tpu.memref_squeeze %dma_start3A_440 : memref<1x!tpu.dma_semaphore, #tpu.memory_space<semaphore_mem>> -> memref<!tpu.dma_semaphore, #tpu.memory_space<semaphore_mem>>
    %dma_start3A_442 = arith.constant 8 : i32
    %dma_start3A_443 = arith.constant 0 : i32
    %dma_start3A_444 = arith.constant 0 : i32
    %dma_start3A_445 = tpu.memref_slice %arg2[%dma_start3A_442, %dma_start3A_443, %dma_start3A_444] : memref<16x128x4096xf32, #tpu.memory_space<hbm>> -> memref<1x128x4096xf32, #tpu.memory_space<hbm>>
    %dma_start3A_446 = arith.constant 0 : i32
    %dma_start3A_447 = arith.constant 0 : i32
    %dma_start3A_448 = arith.constant 0 : i32
    %dma_start3A_449 = tpu.memref_slice %arg4[%dma_start3A_438, %dma_start3A_446, %dma_start3A_447, %dma_start3A_448] : memref<8x1x128x4096xf32, #tpu.memory_space<vmem>> -> memref<1x1x128x4096xf32, #tpu.memory_space<vmem>>
    %dma_start3A_450 = tpu.memref_squeeze %dma_start3A_449 : memref<1x1x128x4096xf32, #tpu.memory_space<vmem>> -> memref<1x128x4096xf32, #tpu.memory_space<vmem>>
    tpu.enqueue_dma source(%dma_start3A_450 : memref<1x128x4096xf32, #tpu.memory_space<vmem>>) target(%dma_start3A_445 : memref<1x128x4096xf32, #tpu.memory_space<hbm>>) target_semaphore(%dma_start3A_441 : memref<!tpu.dma_semaphore, #tpu.memory_space<semaphore_mem>>)
    %dma_wait3A_451 = arith.constant 4 : i32
    %dma_wait3A_452 = arith.constant 4 : i32
    %dma_wait3A_453 = tpu.memref_slice %arg6[%dma_wait3A_452] : memref<8x!tpu.dma_semaphore, #tpu.memory_space<semaphore_mem>> -> memref<1x!tpu.dma_semaphore, #tpu.memory_space<semaphore_mem>>
    %dma_wait3A_454 = tpu.memref_squeeze %dma_wait3A_453 : memref<1x!tpu.dma_semaphore, #tpu.memory_space<semaphore_mem>> -> memref<!tpu.dma_semaphore, #tpu.memory_space<semaphore_mem>>
    %dma_wait3A_455 = arith.constant 4 : i32
    %dma_wait3A_456 = arith.constant 0 : i32
    %dma_wait3A_457 = arith.constant 0 : i32
    %dma_wait3A_458 = tpu.memref_slice %arg2[%dma_wait3A_455, %dma_wait3A_456, %dma_wait3A_457] : memref<16x128x4096xf32, #tpu.memory_space<hbm>> -> memref<1x128x4096xf32, #tpu.memory_space<hbm>>
    %dma_wait3A_459 = arith.constant 0 : i32
    %dma_wait3A_460 = arith.constant 0 : i32
    %dma_wait3A_461 = arith.constant 0 : i32
    %dma_wait3A_462 = tpu.memref_slice %arg4[%dma_wait3A_451, %dma_wait3A_459, %dma_wait3A_460, %dma_wait3A_461] : memref<8x1x128x4096xf32, #tpu.memory_space<vmem>> -> memref<1x1x128x4096xf32, #tpu.memory_space<vmem>>
    %dma_wait3A_463 = tpu.memref_squeeze %dma_wait3A_462 : memref<1x1x128x4096xf32, #tpu.memory_space<vmem>> -> memref<1x128x4096xf32, #tpu.memory_space<vmem>>
    tpu.wait_dma2 semaphore(%dma_wait3A_454 : memref<!tpu.dma_semaphore, #tpu.memory_space<semaphore_mem>>) src(%dma_wait3A_463 : memref<1x128x4096xf32, #tpu.memory_space<vmem>>) dst(%dma_wait3A_458 : memref<1x128x4096xf32, #tpu.memory_space<hbm>>)
    %dma_start3A_464 = arith.constant 4 : i32
    %dma_start3A_465 = arith.constant 4 : i32
    %dma_start3A_466 = tpu.memref_slice %arg5[%dma_start3A_465] : memref<8x!tpu.dma_semaphore, #tpu.memory_space<semaphore_mem>> -> memref<1x!tpu.dma_semaphore, #tpu.memory_space<semaphore_mem>>
    %dma_start3A_467 = tpu.memref_squeeze %dma_start3A_466 : memref<1x!tpu.dma_semaphore, #tpu.memory_space<semaphore_mem>> -> memref<!tpu.dma_semaphore, #tpu.memory_space<semaphore_mem>>
    %dma_start3A_468 = arith.constant 0 : i32
    %dma_start3A_469 = arith.constant 0 : i32
    %dma_start3A_470 = arith.constant 0 : i32
    %dma_start3A_471 = tpu.memref_slice %arg4[%dma_start3A_464, %dma_start3A_468, %dma_start3A_469, %dma_start3A_470] : memref<8x1x128x4096xf32, #tpu.memory_space<vmem>> -> memref<1x1x128x4096xf32, #tpu.memory_space<vmem>>
    %dma_start3A_472 = tpu.memref_squeeze %dma_start3A_471 : memref<1x1x128x4096xf32, #tpu.memory_space<vmem>> -> memref<1x128x4096xf32, #tpu.memory_space<vmem>>
    %dma_start3A_473 = arith.constant 12 : i32
    %dma_start3A_474 = arith.constant 0 : i32
    %dma_start3A_475 = arith.constant 0 : i32
    %dma_start3A_476 = tpu.memref_slice %arg0[%dma_start3A_473, %dma_start3A_474, %dma_start3A_475] : memref<16x128x4096xf32, #tpu.memory_space<hbm>> -> memref<1x128x4096xf32, #tpu.memory_space<hbm>>
    tpu.enqueue_dma source(%dma_start3A_476 : memref<1x128x4096xf32, #tpu.memory_space<hbm>>) target(%dma_start3A_472 : memref<1x128x4096xf32, #tpu.memory_space<vmem>>) target_semaphore(%dma_start3A_467 : memref<!tpu.dma_semaphore, #tpu.memory_space<semaphore_mem>>)
    %dma_wait3A_477 = arith.constant 1 : i32
    %dma_wait3A_478 = arith.constant 1 : i32
    %dma_wait3A_479 = tpu.memref_slice %arg5[%dma_wait3A_478] : memref<8x!tpu.dma_semaphore, #tpu.memory_space<semaphore_mem>> -> memref<1x!tpu.dma_semaphore, #tpu.memory_space<semaphore_mem>>
    %dma_wait3A_480 = tpu.memref_squeeze %dma_wait3A_479 : memref<1x!tpu.dma_semaphore, #tpu.memory_space<semaphore_mem>> -> memref<!tpu.dma_semaphore, #tpu.memory_space<semaphore_mem>>
    %dma_wait3A_481 = arith.constant 0 : i32
    %dma_wait3A_482 = arith.constant 0 : i32
    %dma_wait3A_483 = arith.constant 0 : i32
    %dma_wait3A_484 = tpu.memref_slice %arg4[%dma_wait3A_477, %dma_wait3A_481, %dma_wait3A_482, %dma_wait3A_483] : memref<8x1x128x4096xf32, #tpu.memory_space<vmem>> -> memref<1x1x128x4096xf32, #tpu.memory_space<vmem>>
    %dma_wait3A_485 = tpu.memref_squeeze %dma_wait3A_484 : memref<1x1x128x4096xf32, #tpu.memory_space<vmem>> -> memref<1x128x4096xf32, #tpu.memory_space<vmem>>
    %dma_wait3A_486 = arith.constant 9 : i32
    %dma_wait3A_487 = arith.constant 0 : i32
    %dma_wait3A_488 = arith.constant 0 : i32
    %dma_wait3A_489 = tpu.memref_slice %arg0[%dma_wait3A_486, %dma_wait3A_487, %dma_wait3A_488] : memref<16x128x4096xf32, #tpu.memory_space<hbm>> -> memref<1x128x4096xf32, #tpu.memory_space<hbm>>
    tpu.wait_dma2 semaphore(%dma_wait3A_480 : memref<!tpu.dma_semaphore, #tpu.memory_space<semaphore_mem>>) src(%dma_wait3A_489 : memref<1x128x4096xf32, #tpu.memory_space<hbm>>) dst(%dma_wait3A_485 : memref<1x128x4096xf32, #tpu.memory_space<vmem>>)
    %dma_start3A_490 = arith.constant 1 : i32
    %dma_start3A_491 = arith.constant 1 : i32
    %dma_start3A_492 = tpu.memref_slice %arg6[%dma_start3A_491] : memref<8x!tpu.dma_semaphore, #tpu.memory_space<semaphore_mem>> -> memref<1x!tpu.dma_semaphore, #tpu.memory_space<semaphore_mem>>
    %dma_start3A_493 = tpu.memref_squeeze %dma_start3A_492 : memref<1x!tpu.dma_semaphore, #tpu.memory_space<semaphore_mem>> -> memref<!tpu.dma_semaphore, #tpu.memory_space<semaphore_mem>>
    %dma_start3A_494 = arith.constant 9 : i32
    %dma_start3A_495 = arith.constant 0 : i32
    %dma_start3A_496 = arith.constant 0 : i32
    %dma_start3A_497 = tpu.memref_slice %arg2[%dma_start3A_494, %dma_start3A_495, %dma_start3A_496] : memref<16x128x4096xf32, #tpu.memory_space<hbm>> -> memref<1x128x4096xf32, #tpu.memory_space<hbm>>
    %dma_start3A_498 = arith.constant 0 : i32
    %dma_start3A_499 = arith.constant 0 : i32
    %dma_start3A_500 = arith.constant 0 : i32
    %dma_start3A_501 = tpu.memref_slice %arg4[%dma_start3A_490, %dma_start3A_498, %dma_start3A_499, %dma_start3A_500] : memref<8x1x128x4096xf32, #tpu.memory_space<vmem>> -> memref<1x1x128x4096xf32, #tpu.memory_space<vmem>>
    %dma_start3A_502 = tpu.memref_squeeze %dma_start3A_501 : memref<1x1x128x4096xf32, #tpu.memory_space<vmem>> -> memref<1x128x4096xf32, #tpu.memory_space<vmem>>
    tpu.enqueue_dma source(%dma_start3A_502 : memref<1x128x4096xf32, #tpu.memory_space<vmem>>) target(%dma_start3A_497 : memref<1x128x4096xf32, #tpu.memory_space<hbm>>) target_semaphore(%dma_start3A_493 : memref<!tpu.dma_semaphore, #tpu.memory_space<semaphore_mem>>)
    %dma_wait3A_503 = arith.constant 5 : i32
    %dma_wait3A_504 = arith.constant 5 : i32
    %dma_wait3A_505 = tpu.memref_slice %arg6[%dma_wait3A_504] : memref<8x!tpu.dma_semaphore, #tpu.memory_space<semaphore_mem>> -> memref<1x!tpu.dma_semaphore, #tpu.memory_space<semaphore_mem>>
    %dma_wait3A_506 = tpu.memref_squeeze %dma_wait3A_505 : memref<1x!tpu.dma_semaphore, #tpu.memory_space<semaphore_mem>> -> memref<!tpu.dma_semaphore, #tpu.memory_space<semaphore_mem>>
    %dma_wait3A_507 = arith.constant 5 : i32
    %dma_wait3A_508 = arith.constant 0 : i32
    %dma_wait3A_509 = arith.constant 0 : i32
    %dma_wait3A_510 = tpu.memref_slice %arg2[%dma_wait3A_507, %dma_wait3A_508, %dma_wait3A_509] : memref<16x128x4096xf32, #tpu.memory_space<hbm>> -> memref<1x128x4096xf32, #tpu.memory_space<hbm>>
    %dma_wait3A_511 = arith.constant 0 : i32
    %dma_wait3A_512 = arith.constant 0 : i32
    %dma_wait3A_513 = arith.constant 0 : i32
    %dma_wait3A_514 = tpu.memref_slice %arg4[%dma_wait3A_503, %dma_wait3A_511, %dma_wait3A_512, %dma_wait3A_513] : memref<8x1x128x4096xf32, #tpu.memory_space<vmem>> -> memref<1x1x128x4096xf32, #tpu.memory_space<vmem>>
    %dma_wait3A_515 = tpu.memref_squeeze %dma_wait3A_514 : memref<1x1x128x4096xf32, #tpu.memory_space<vmem>> -> memref<1x128x4096xf32, #tpu.memory_space<vmem>>
    tpu.wait_dma2 semaphore(%dma_wait3A_506 : memref<!tpu.dma_semaphore, #tpu.memory_space<semaphore_mem>>) src(%dma_wait3A_515 : memref<1x128x4096xf32, #tpu.memory_space<vmem>>) dst(%dma_wait3A_510 : memref<1x128x4096xf32, #tpu.memory_space<hbm>>)
    %dma_start3A_516 = arith.constant 5 : i32
    %dma_start3A_517 = arith.constant 5 : i32
    %dma_start3A_518 = tpu.memref_slice %arg5[%dma_start3A_517] : memref<8x!tpu.dma_semaphore, #tpu.memory_space<semaphore_mem>> -> memref<1x!tpu.dma_semaphore, #tpu.memory_space<semaphore_mem>>
    %dma_start3A_519 = tpu.memref_squeeze %dma_start3A_518 : memref<1x!tpu.dma_semaphore, #tpu.memory_space<semaphore_mem>> -> memref<!tpu.dma_semaphore, #tpu.memory_space<semaphore_mem>>
    %dma_start3A_520 = arith.constant 0 : i32
    %dma_start3A_521 = arith.constant 0 : i32
    %dma_start3A_522 = arith.constant 0 : i32
    %dma_start3A_523 = tpu.memref_slice %arg4[%dma_start3A_516, %dma_start3A_520, %dma_start3A_521, %dma_start3A_522] : memref<8x1x128x4096xf32, #tpu.memory_space<vmem>> -> memref<1x1x128x4096xf32, #tpu.memory_space<vmem>>
    %dma_start3A_524 = tpu.memref_squeeze %dma_start3A_523 : memref<1x1x128x4096xf32, #tpu.memory_space<vmem>> -> memref<1x128x4096xf32, #tpu.memory_space<vmem>>
    %dma_start3A_525 = arith.constant 13 : i32
    %dma_start3A_526 = arith.constant 0 : i32
    %dma_start3A_527 = arith.constant 0 : i32
    %dma_start3A_528 = tpu.memref_slice %arg0[%dma_start3A_525, %dma_start3A_526, %dma_start3A_527] : memref<16x128x4096xf32, #tpu.memory_space<hbm>> -> memref<1x128x4096xf32, #tpu.memory_space<hbm>>
    tpu.enqueue_dma source(%dma_start3A_528 : memref<1x128x4096xf32, #tpu.memory_space<hbm>>) target(%dma_start3A_524 : memref<1x128x4096xf32, #tpu.memory_space<vmem>>) target_semaphore(%dma_start3A_519 : memref<!tpu.dma_semaphore, #tpu.memory_space<semaphore_mem>>)
    %dma_wait3A_529 = arith.constant 2 : i32
    %dma_wait3A_530 = arith.constant 2 : i32
    %dma_wait3A_531 = tpu.memref_slice %arg5[%dma_wait3A_530] : memref<8x!tpu.dma_semaphore, #tpu.memory_space<semaphore_mem>> -> memref<1x!tpu.dma_semaphore, #tpu.memory_space<semaphore_mem>>
    %dma_wait3A_532 = tpu.memref_squeeze %dma_wait3A_531 : memref<1x!tpu.dma_semaphore, #tpu.memory_space<semaphore_mem>> -> memref<!tpu.dma_semaphore, #tpu.memory_space<semaphore_mem>>
    %dma_wait3A_533 = arith.constant 0 : i32
    %dma_wait3A_534 = arith.constant 0 : i32
    %dma_wait3A_535 = arith.constant 0 : i32
    %dma_wait3A_536 = tpu.memref_slice %arg4[%dma_wait3A_529, %dma_wait3A_533, %dma_wait3A_534, %dma_wait3A_535] : memref<8x1x128x4096xf32, #tpu.memory_space<vmem>> -> memref<1x1x128x4096xf32, #tpu.memory_space<vmem>>
    %dma_wait3A_537 = tpu.memref_squeeze %dma_wait3A_536 : memref<1x1x128x4096xf32, #tpu.memory_space<vmem>> -> memref<1x128x4096xf32, #tpu.memory_space<vmem>>
    %dma_wait3A_538 = arith.constant 10 : i32
    %dma_wait3A_539 = arith.constant 0 : i32
    %dma_wait3A_540 = arith.constant 0 : i32
    %dma_wait3A_541 = tpu.memref_slice %arg0[%dma_wait3A_538, %dma_wait3A_539, %dma_wait3A_540] : memref<16x128x4096xf32, #tpu.memory_space<hbm>> -> memref<1x128x4096xf32, #tpu.memory_space<hbm>>
    tpu.wait_dma2 semaphore(%dma_wait3A_532 : memref<!tpu.dma_semaphore, #tpu.memory_space<semaphore_mem>>) src(%dma_wait3A_541 : memref<1x128x4096xf32, #tpu.memory_space<hbm>>) dst(%dma_wait3A_537 : memref<1x128x4096xf32, #tpu.memory_space<vmem>>)
    %dma_start3A_542 = arith.constant 2 : i32
    %dma_start3A_543 = arith.constant 2 : i32
    %dma_start3A_544 = tpu.memref_slice %arg6[%dma_start3A_543] : memref<8x!tpu.dma_semaphore, #tpu.memory_space<semaphore_mem>> -> memref<1x!tpu.dma_semaphore, #tpu.memory_space<semaphore_mem>>
    %dma_start3A_545 = tpu.memref_squeeze %dma_start3A_544 : memref<1x!tpu.dma_semaphore, #tpu.memory_space<semaphore_mem>> -> memref<!tpu.dma_semaphore, #tpu.memory_space<semaphore_mem>>
    %dma_start3A_546 = arith.constant 10 : i32
    %dma_start3A_547 = arith.constant 0 : i32
    %dma_start3A_548 = arith.constant 0 : i32
    %dma_start3A_549 = tpu.memref_slice %arg2[%dma_start3A_546, %dma_start3A_547, %dma_start3A_548] : memref<16x128x4096xf32, #tpu.memory_space<hbm>> -> memref<1x128x4096xf32, #tpu.memory_space<hbm>>
    %dma_start3A_550 = arith.constant 0 : i32
    %dma_start3A_551 = arith.constant 0 : i32
    %dma_start3A_552 = arith.constant 0 : i32
    %dma_start3A_553 = tpu.memref_slice %arg4[%dma_start3A_542, %dma_start3A_550, %dma_start3A_551, %dma_start3A_552] : memref<8x1x128x4096xf32, #tpu.memory_space<vmem>> -> memref<1x1x128x4096xf32, #tpu.memory_space<vmem>>
    %dma_start3A_554 = tpu.memref_squeeze %dma_start3A_553 : memref<1x1x128x4096xf32, #tpu.memory_space<vmem>> -> memref<1x128x4096xf32, #tpu.memory_space<vmem>>
    tpu.enqueue_dma source(%dma_start3A_554 : memref<1x128x4096xf32, #tpu.memory_space<vmem>>) target(%dma_start3A_549 : memref<1x128x4096xf32, #tpu.memory_space<hbm>>) target_semaphore(%dma_start3A_545 : memref<!tpu.dma_semaphore, #tpu.memory_space<semaphore_mem>>)
    %dma_wait3A_555 = arith.constant 6 : i32
    %dma_wait3A_556 = arith.constant 6 : i32
    %dma_wait3A_557 = tpu.memref_slice %arg6[%dma_wait3A_556] : memref<8x!tpu.dma_semaphore, #tpu.memory_space<semaphore_mem>> -> memref<1x!tpu.dma_semaphore, #tpu.memory_space<semaphore_mem>>
    %dma_wait3A_558 = tpu.memref_squeeze %dma_wait3A_557 : memref<1x!tpu.dma_semaphore, #tpu.memory_space<semaphore_mem>> -> memref<!tpu.dma_semaphore, #tpu.memory_space<semaphore_mem>>
    %dma_wait3A_559 = arith.constant 6 : i32
    %dma_wait3A_560 = arith.constant 0 : i32
    %dma_wait3A_561 = arith.constant 0 : i32
    %dma_wait3A_562 = tpu.memref_slice %arg2[%dma_wait3A_559, %dma_wait3A_560, %dma_wait3A_561] : memref<16x128x4096xf32, #tpu.memory_space<hbm>> -> memref<1x128x4096xf32, #tpu.memory_space<hbm>>
    %dma_wait3A_563 = arith.constant 0 : i32
    %dma_wait3A_564 = arith.constant 0 : i32
    %dma_wait3A_565 = arith.constant 0 : i32
    %dma_wait3A_566 = tpu.memref_slice %arg4[%dma_wait3A_555, %dma_wait3A_563, %dma_wait3A_564, %dma_wait3A_565] : memref<8x1x128x4096xf32, #tpu.memory_space<vmem>> -> memref<1x1x128x4096xf32, #tpu.memory_space<vmem>>
    %dma_wait3A_567 = tpu.memref_squeeze %dma_wait3A_566 : memref<1x1x128x4096xf32, #tpu.memory_space<vmem>> -> memref<1x128x4096xf32, #tpu.memory_space<vmem>>
    tpu.wait_dma2 semaphore(%dma_wait3A_558 : memref<!tpu.dma_semaphore, #tpu.memory_space<semaphore_mem>>) src(%dma_wait3A_567 : memref<1x128x4096xf32, #tpu.memory_space<vmem>>) dst(%dma_wait3A_562 : memref<1x128x4096xf32, #tpu.memory_space<hbm>>)
    %dma_start3A_568 = arith.constant 6 : i32
    %dma_start3A_569 = arith.constant 6 : i32
    %dma_start3A_570 = tpu.memref_slice %arg5[%dma_start3A_569] : memref<8x!tpu.dma_semaphore, #tpu.memory_space<semaphore_mem>> -> memref<1x!tpu.dma_semaphore, #tpu.memory_space<semaphore_mem>>
    %dma_start3A_571 = tpu.memref_squeeze %dma_start3A_570 : memref<1x!tpu.dma_semaphore, #tpu.memory_space<semaphore_mem>> -> memref<!tpu.dma_semaphore, #tpu.memory_space<semaphore_mem>>
    %dma_start3A_572 = arith.constant 0 : i32
    %dma_start3A_573 = arith.constant 0 : i32
    %dma_start3A_574 = arith.constant 0 : i32
    %dma_start3A_575 = tpu.memref_slice %arg4[%dma_start3A_568, %dma_start3A_572, %dma_start3A_573, %dma_start3A_574] : memref<8x1x128x4096xf32, #tpu.memory_space<vmem>> -> memref<1x1x128x4096xf32, #tpu.memory_space<vmem>>
    %dma_start3A_576 = tpu.memref_squeeze %dma_start3A_575 : memref<1x1x128x4096xf32, #tpu.memory_space<vmem>> -> memref<1x128x4096xf32, #tpu.memory_space<vmem>>
    %dma_start3A_577 = arith.constant 14 : i32
    %dma_start3A_578 = arith.constant 0 : i32
    %dma_start3A_579 = arith.constant 0 : i32
    %dma_start3A_580 = tpu.memref_slice %arg0[%dma_start3A_577, %dma_start3A_578, %dma_start3A_579] : memref<16x128x4096xf32, #tpu.memory_space<hbm>> -> memref<1x128x4096xf32, #tpu.memory_space<hbm>>
    tpu.enqueue_dma source(%dma_start3A_580 : memref<1x128x4096xf32, #tpu.memory_space<hbm>>) target(%dma_start3A_576 : memref<1x128x4096xf32, #tpu.memory_space<vmem>>) target_semaphore(%dma_start3A_571 : memref<!tpu.dma_semaphore, #tpu.memory_space<semaphore_mem>>)
    %dma_wait3A_581 = arith.constant 3 : i32
    %dma_wait3A_582 = arith.constant 3 : i32
    %dma_wait3A_583 = tpu.memref_slice %arg5[%dma_wait3A_582] : memref<8x!tpu.dma_semaphore, #tpu.memory_space<semaphore_mem>> -> memref<1x!tpu.dma_semaphore, #tpu.memory_space<semaphore_mem>>
    %dma_wait3A_584 = tpu.memref_squeeze %dma_wait3A_583 : memref<1x!tpu.dma_semaphore, #tpu.memory_space<semaphore_mem>> -> memref<!tpu.dma_semaphore, #tpu.memory_space<semaphore_mem>>
    %dma_wait3A_585 = arith.constant 0 : i32
    %dma_wait3A_586 = arith.constant 0 : i32
    %dma_wait3A_587 = arith.constant 0 : i32
    %dma_wait3A_588 = tpu.memref_slice %arg4[%dma_wait3A_581, %dma_wait3A_585, %dma_wait3A_586, %dma_wait3A_587] : memref<8x1x128x4096xf32, #tpu.memory_space<vmem>> -> memref<1x1x128x4096xf32, #tpu.memory_space<vmem>>
    %dma_wait3A_589 = tpu.memref_squeeze %dma_wait3A_588 : memref<1x1x128x4096xf32, #tpu.memory_space<vmem>> -> memref<1x128x4096xf32, #tpu.memory_space<vmem>>
    %dma_wait3A_590 = arith.constant 11 : i32
    %dma_wait3A_591 = arith.constant 0 : i32
    %dma_wait3A_592 = arith.constant 0 : i32
    %dma_wait3A_593 = tpu.memref_slice %arg0[%dma_wait3A_590, %dma_wait3A_591, %dma_wait3A_592] : memref<16x128x4096xf32, #tpu.memory_space<hbm>> -> memref<1x128x4096xf32, #tpu.memory_space<hbm>>
    tpu.wait_dma2 semaphore(%dma_wait3A_584 : memref<!tpu.dma_semaphore, #tpu.memory_space<semaphore_mem>>) src(%dma_wait3A_593 : memref<1x128x4096xf32, #tpu.memory_space<hbm>>) dst(%dma_wait3A_589 : memref<1x128x4096xf32, #tpu.memory_space<vmem>>)
    %dma_start3A_594 = arith.constant 3 : i32
    %dma_start3A_595 = arith.constant 3 : i32
    %dma_start3A_596 = tpu.memref_slice %arg6[%dma_start3A_595] : memref<8x!tpu.dma_semaphore, #tpu.memory_space<semaphore_mem>> -> memref<1x!tpu.dma_semaphore, #tpu.memory_space<semaphore_mem>>
    %dma_start3A_597 = tpu.memref_squeeze %dma_start3A_596 : memref<1x!tpu.dma_semaphore, #tpu.memory_space<semaphore_mem>> -> memref<!tpu.dma_semaphore, #tpu.memory_space<semaphore_mem>>
    %dma_start3A_598 = arith.constant 11 : i32
    %dma_start3A_599 = arith.constant 0 : i32
    %dma_start3A_600 = arith.constant 0 : i32
    %dma_start3A_601 = tpu.memref_slice %arg2[%dma_start3A_598, %dma_start3A_599, %dma_start3A_600] : memref<16x128x4096xf32, #tpu.memory_space<hbm>> -> memref<1x128x4096xf32, #tpu.memory_space<hbm>>
    %dma_start3A_602 = arith.constant 0 : i32
    %dma_start3A_603 = arith.constant 0 : i32
    %dma_start3A_604 = arith.constant 0 : i32
    %dma_start3A_605 = tpu.memref_slice %arg4[%dma_start3A_594, %dma_start3A_602, %dma_start3A_603, %dma_start3A_604] : memref<8x1x128x4096xf32, #tpu.memory_space<vmem>> -> memref<1x1x128x4096xf32, #tpu.memory_space<vmem>>
    %dma_start3A_606 = tpu.memref_squeeze %dma_start3A_605 : memref<1x1x128x4096xf32, #tpu.memory_space<vmem>> -> memref<1x128x4096xf32, #tpu.memory_space<vmem>>
    tpu.enqueue_dma source(%dma_start3A_606 : memref<1x128x4096xf32, #tpu.memory_space<vmem>>) target(%dma_start3A_601 : memref<1x128x4096xf32, #tpu.memory_space<hbm>>) target_semaphore(%dma_start3A_597 : memref<!tpu.dma_semaphore, #tpu.memory_space<semaphore_mem>>)
    %dma_wait3A_607 = arith.constant 7 : i32
    %dma_wait3A_608 = arith.constant 7 : i32
    %dma_wait3A_609 = tpu.memref_slice %arg6[%dma_wait3A_608] : memref<8x!tpu.dma_semaphore, #tpu.memory_space<semaphore_mem>> -> memref<1x!tpu.dma_semaphore, #tpu.memory_space<semaphore_mem>>
    %dma_wait3A_610 = tpu.memref_squeeze %dma_wait3A_609 : memref<1x!tpu.dma_semaphore, #tpu.memory_space<semaphore_mem>> -> memref<!tpu.dma_semaphore, #tpu.memory_space<semaphore_mem>>
    %dma_wait3A_611 = arith.constant 7 : i32
    %dma_wait3A_612 = arith.constant 0 : i32
    %dma_wait3A_613 = arith.constant 0 : i32
    %dma_wait3A_614 = tpu.memref_slice %arg2[%dma_wait3A_611, %dma_wait3A_612, %dma_wait3A_613] : memref<16x128x4096xf32, #tpu.memory_space<hbm>> -> memref<1x128x4096xf32, #tpu.memory_space<hbm>>
    %dma_wait3A_615 = arith.constant 0 : i32
    %dma_wait3A_616 = arith.constant 0 : i32
    %dma_wait3A_617 = arith.constant 0 : i32
    %dma_wait3A_618 = tpu.memref_slice %arg4[%dma_wait3A_607, %dma_wait3A_615, %dma_wait3A_616, %dma_wait3A_617] : memref<8x1x128x4096xf32, #tpu.memory_space<vmem>> -> memref<1x1x128x4096xf32, #tpu.memory_space<vmem>>
    %dma_wait3A_619 = tpu.memref_squeeze %dma_wait3A_618 : memref<1x1x128x4096xf32, #tpu.memory_space<vmem>> -> memref<1x128x4096xf32, #tpu.memory_space<vmem>>
    tpu.wait_dma2 semaphore(%dma_wait3A_610 : memref<!tpu.dma_semaphore, #tpu.memory_space<semaphore_mem>>) src(%dma_wait3A_619 : memref<1x128x4096xf32, #tpu.memory_space<vmem>>) dst(%dma_wait3A_614 : memref<1x128x4096xf32, #tpu.memory_space<hbm>>)
    %dma_start3A_620 = arith.constant 7 : i32
    %dma_start3A_621 = arith.constant 7 : i32
    %dma_start3A_622 = tpu.memref_slice %arg5[%dma_start3A_621] : memref<8x!tpu.dma_semaphore, #tpu.memory_space<semaphore_mem>> -> memref<1x!tpu.dma_semaphore, #tpu.memory_space<semaphore_mem>>
    %dma_start3A_623 = tpu.memref_squeeze %dma_start3A_622 : memref<1x!tpu.dma_semaphore, #tpu.memory_space<semaphore_mem>> -> memref<!tpu.dma_semaphore, #tpu.memory_space<semaphore_mem>>
    %dma_start3A_624 = arith.constant 0 : i32
    %dma_start3A_625 = arith.constant 0 : i32
    %dma_start3A_626 = arith.constant 0 : i32
    %dma_start3A_627 = tpu.memref_slice %arg4[%dma_start3A_620, %dma_start3A_624, %dma_start3A_625, %dma_start3A_626] : memref<8x1x128x4096xf32, #tpu.memory_space<vmem>> -> memref<1x1x128x4096xf32, #tpu.memory_space<vmem>>
    %dma_start3A_628 = tpu.memref_squeeze %dma_start3A_627 : memref<1x1x128x4096xf32, #tpu.memory_space<vmem>> -> memref<1x128x4096xf32, #tpu.memory_space<vmem>>
    %dma_start3A_629 = arith.constant 15 : i32
    %dma_start3A_630 = arith.constant 0 : i32
    %dma_start3A_631 = arith.constant 0 : i32
    %dma_start3A_632 = tpu.memref_slice %arg0[%dma_start3A_629, %dma_start3A_630, %dma_start3A_631] : memref<16x128x4096xf32, #tpu.memory_space<hbm>> -> memref<1x128x4096xf32, #tpu.memory_space<hbm>>
    tpu.enqueue_dma source(%dma_start3A_632 : memref<1x128x4096xf32, #tpu.memory_space<hbm>>) target(%dma_start3A_628 : memref<1x128x4096xf32, #tpu.memory_space<vmem>>) target_semaphore(%dma_start3A_623 : memref<!tpu.dma_semaphore, #tpu.memory_space<semaphore_mem>>)
    %dma_wait3A_633 = arith.constant 4 : i32
    %dma_wait3A_634 = arith.constant 4 : i32
    %dma_wait3A_635 = tpu.memref_slice %arg5[%dma_wait3A_634] : memref<8x!tpu.dma_semaphore, #tpu.memory_space<semaphore_mem>> -> memref<1x!tpu.dma_semaphore, #tpu.memory_space<semaphore_mem>>
    %dma_wait3A_636 = tpu.memref_squeeze %dma_wait3A_635 : memref<1x!tpu.dma_semaphore, #tpu.memory_space<semaphore_mem>> -> memref<!tpu.dma_semaphore, #tpu.memory_space<semaphore_mem>>
    %dma_wait3A_637 = arith.constant 0 : i32
    %dma_wait3A_638 = arith.constant 0 : i32
    %dma_wait3A_639 = arith.constant 0 : i32
    %dma_wait3A_640 = tpu.memref_slice %arg4[%dma_wait3A_633, %dma_wait3A_637, %dma_wait3A_638, %dma_wait3A_639] : memref<8x1x128x4096xf32, #tpu.memory_space<vmem>> -> memref<1x1x128x4096xf32, #tpu.memory_space<vmem>>
    %dma_wait3A_641 = tpu.memref_squeeze %dma_wait3A_640 : memref<1x1x128x4096xf32, #tpu.memory_space<vmem>> -> memref<1x128x4096xf32, #tpu.memory_space<vmem>>
    %dma_wait3A_642 = arith.constant 12 : i32
    %dma_wait3A_643 = arith.constant 0 : i32
    %dma_wait3A_644 = arith.constant 0 : i32
    %dma_wait3A_645 = tpu.memref_slice %arg0[%dma_wait3A_642, %dma_wait3A_643, %dma_wait3A_644] : memref<16x128x4096xf32, #tpu.memory_space<hbm>> -> memref<1x128x4096xf32, #tpu.memory_space<hbm>>
    tpu.wait_dma2 semaphore(%dma_wait3A_636 : memref<!tpu.dma_semaphore, #tpu.memory_space<semaphore_mem>>) src(%dma_wait3A_645 : memref<1x128x4096xf32, #tpu.memory_space<hbm>>) dst(%dma_wait3A_641 : memref<1x128x4096xf32, #tpu.memory_space<vmem>>)
    %dma_start3A_646 = arith.constant 4 : i32
    %dma_start3A_647 = arith.constant 4 : i32
    %dma_start3A_648 = tpu.memref_slice %arg6[%dma_start3A_647] : memref<8x!tpu.dma_semaphore, #tpu.memory_space<semaphore_mem>> -> memref<1x!tpu.dma_semaphore, #tpu.memory_space<semaphore_mem>>
    %dma_start3A_649 = tpu.memref_squeeze %dma_start3A_648 : memref<1x!tpu.dma_semaphore, #tpu.memory_space<semaphore_mem>> -> memref<!tpu.dma_semaphore, #tpu.memory_space<semaphore_mem>>
    %dma_start3A_650 = arith.constant 12 : i32
    %dma_start3A_651 = arith.constant 0 : i32
    %dma_start3A_652 = arith.constant 0 : i32
    %dma_start3A_653 = tpu.memref_slice %arg2[%dma_start3A_650, %dma_start3A_651, %dma_start3A_652] : memref<16x128x4096xf32, #tpu.memory_space<hbm>> -> memref<1x128x4096xf32, #tpu.memory_space<hbm>>
    %dma_start3A_654 = arith.constant 0 : i32
    %dma_start3A_655 = arith.constant 0 : i32
    %dma_start3A_656 = arith.constant 0 : i32
    %dma_start3A_657 = tpu.memref_slice %arg4[%dma_start3A_646, %dma_start3A_654, %dma_start3A_655, %dma_start3A_656] : memref<8x1x128x4096xf32, #tpu.memory_space<vmem>> -> memref<1x1x128x4096xf32, #tpu.memory_space<vmem>>
    %dma_start3A_658 = tpu.memref_squeeze %dma_start3A_657 : memref<1x1x128x4096xf32, #tpu.memory_space<vmem>> -> memref<1x128x4096xf32, #tpu.memory_space<vmem>>
    tpu.enqueue_dma source(%dma_start3A_658 : memref<1x128x4096xf32, #tpu.memory_space<vmem>>) target(%dma_start3A_653 : memref<1x128x4096xf32, #tpu.memory_space<hbm>>) target_semaphore(%dma_start3A_649 : memref<!tpu.dma_semaphore, #tpu.memory_space<semaphore_mem>>)
    %dma_wait3A_659 = arith.constant 5 : i32
    %dma_wait3A_660 = arith.constant 5 : i32
    %dma_wait3A_661 = tpu.memref_slice %arg5[%dma_wait3A_660] : memref<8x!tpu.dma_semaphore, #tpu.memory_space<semaphore_mem>> -> memref<1x!tpu.dma_semaphore, #tpu.memory_space<semaphore_mem>>
    %dma_wait3A_662 = tpu.memref_squeeze %dma_wait3A_661 : memref<1x!tpu.dma_semaphore, #tpu.memory_space<semaphore_mem>> -> memref<!tpu.dma_semaphore, #tpu.memory_space<semaphore_mem>>
    %dma_wait3A_663 = arith.constant 0 : i32
    %dma_wait3A_664 = arith.constant 0 : i32
    %dma_wait3A_665 = arith.constant 0 : i32
    %dma_wait3A_666 = tpu.memref_slice %arg4[%dma_wait3A_659, %dma_wait3A_663, %dma_wait3A_664, %dma_wait3A_665] : memref<8x1x128x4096xf32, #tpu.memory_space<vmem>> -> memref<1x1x128x4096xf32, #tpu.memory_space<vmem>>
    %dma_wait3A_667 = tpu.memref_squeeze %dma_wait3A_666 : memref<1x1x128x4096xf32, #tpu.memory_space<vmem>> -> memref<1x128x4096xf32, #tpu.memory_space<vmem>>
    %dma_wait3A_668 = arith.constant 13 : i32
    %dma_wait3A_669 = arith.constant 0 : i32
    %dma_wait3A_670 = arith.constant 0 : i32
    %dma_wait3A_671 = tpu.memref_slice %arg0[%dma_wait3A_668, %dma_wait3A_669, %dma_wait3A_670] : memref<16x128x4096xf32, #tpu.memory_space<hbm>> -> memref<1x128x4096xf32, #tpu.memory_space<hbm>>
    tpu.wait_dma2 semaphore(%dma_wait3A_662 : memref<!tpu.dma_semaphore, #tpu.memory_space<semaphore_mem>>) src(%dma_wait3A_671 : memref<1x128x4096xf32, #tpu.memory_space<hbm>>) dst(%dma_wait3A_667 : memref<1x128x4096xf32, #tpu.memory_space<vmem>>)
    %dma_start3A_672 = arith.constant 5 : i32
    %dma_start3A_673 = arith.constant 5 : i32
    %dma_start3A_674 = tpu.memref_slice %arg6[%dma_start3A_673] : memref<8x!tpu.dma_semaphore, #tpu.memory_space<semaphore_mem>> -> memref<1x!tpu.dma_semaphore, #tpu.memory_space<semaphore_mem>>
    %dma_start3A_675 = tpu.memref_squeeze %dma_start3A_674 : memref<1x!tpu.dma_semaphore, #tpu.memory_space<semaphore_mem>> -> memref<!tpu.dma_semaphore, #tpu.memory_space<semaphore_mem>>
    %dma_start3A_676 = arith.constant 13 : i32
    %dma_start3A_677 = arith.constant 0 : i32
    %dma_start3A_678 = arith.constant 0 : i32
    %dma_start3A_679 = tpu.memref_slice %arg2[%dma_start3A_676, %dma_start3A_677, %dma_start3A_678] : memref<16x128x4096xf32, #tpu.memory_space<hbm>> -> memref<1x128x4096xf32, #tpu.memory_space<hbm>>
    %dma_start3A_680 = arith.constant 0 : i32
    %dma_start3A_681 = arith.constant 0 : i32
    %dma_start3A_682 = arith.constant 0 : i32
    %dma_start3A_683 = tpu.memref_slice %arg4[%dma_start3A_672, %dma_start3A_680, %dma_start3A_681, %dma_start3A_682] : memref<8x1x128x4096xf32, #tpu.memory_space<vmem>> -> memref<1x1x128x4096xf32, #tpu.memory_space<vmem>>
    %dma_start3A_684 = tpu.memref_squeeze %dma_start3A_683 : memref<1x1x128x4096xf32, #tpu.memory_space<vmem>> -> memref<1x128x4096xf32, #tpu.memory_space<vmem>>
    tpu.enqueue_dma source(%dma_start3A_684 : memref<1x128x4096xf32, #tpu.memory_space<vmem>>) target(%dma_start3A_679 : memref<1x128x4096xf32, #tpu.memory_space<hbm>>) target_semaphore(%dma_start3A_675 : memref<!tpu.dma_semaphore, #tpu.memory_space<semaphore_mem>>)
    %dma_wait3A_685 = arith.constant 6 : i32
    %dma_wait3A_686 = arith.constant 6 : i32
    %dma_wait3A_687 = tpu.memref_slice %arg5[%dma_wait3A_686] : memref<8x!tpu.dma_semaphore, #tpu.memory_space<semaphore_mem>> -> memref<1x!tpu.dma_semaphore, #tpu.memory_space<semaphore_mem>>
    %dma_wait3A_688 = tpu.memref_squeeze %dma_wait3A_687 : memref<1x!tpu.dma_semaphore, #tpu.memory_space<semaphore_mem>> -> memref<!tpu.dma_semaphore, #tpu.memory_space<semaphore_mem>>
    %dma_wait3A_689 = arith.constant 0 : i32
    %dma_wait3A_690 = arith.constant 0 : i32
    %dma_wait3A_691 = arith.constant 0 : i32
    %dma_wait3A_692 = tpu.memref_slice %arg4[%dma_wait3A_685, %dma_wait3A_689, %dma_wait3A_690, %dma_wait3A_691] : memref<8x1x128x4096xf32, #tpu.memory_space<vmem>> -> memref<1x1x128x4096xf32, #tpu.memory_space<vmem>>
    %dma_wait3A_693 = tpu.memref_squeeze %dma_wait3A_692 : memref<1x1x128x4096xf32, #tpu.memory_space<vmem>> -> memref<1x128x4096xf32, #tpu.memory_space<vmem>>
    %dma_wait3A_694 = arith.constant 14 : i32
    %dma_wait3A_695 = arith.constant 0 : i32
    %dma_wait3A_696 = arith.constant 0 : i32
    %dma_wait3A_697 = tpu.memref_slice %arg0[%dma_wait3A_694, %dma_wait3A_695, %dma_wait3A_696] : memref<16x128x4096xf32, #tpu.memory_space<hbm>> -> memref<1x128x4096xf32, #tpu.memory_space<hbm>>
    tpu.wait_dma2 semaphore(%dma_wait3A_688 : memref<!tpu.dma_semaphore, #tpu.memory_space<semaphore_mem>>) src(%dma_wait3A_697 : memref<1x128x4096xf32, #tpu.memory_space<hbm>>) dst(%dma_wait3A_693 : memref<1x128x4096xf32, #tpu.memory_space<vmem>>)
    %dma_start3A_698 = arith.constant 6 : i32
    %dma_start3A_699 = arith.constant 6 : i32
    %dma_start3A_700 = tpu.memref_slice %arg6[%dma_start3A_699] : memref<8x!tpu.dma_semaphore, #tpu.memory_space<semaphore_mem>> -> memref<1x!tpu.dma_semaphore, #tpu.memory_space<semaphore_mem>>
    %dma_start3A_701 = tpu.memref_squeeze %dma_start3A_700 : memref<1x!tpu.dma_semaphore, #tpu.memory_space<semaphore_mem>> -> memref<!tpu.dma_semaphore, #tpu.memory_space<semaphore_mem>>
    %dma_start3A_702 = arith.constant 14 : i32
    %dma_start3A_703 = arith.constant 0 : i32
    %dma_start3A_704 = arith.constant 0 : i32
    %dma_start3A_705 = tpu.memref_slice %arg2[%dma_start3A_702, %dma_start3A_703, %dma_start3A_704] : memref<16x128x4096xf32, #tpu.memory_space<hbm>> -> memref<1x128x4096xf32, #tpu.memory_space<hbm>>
    %dma_start3A_706 = arith.constant 0 : i32
    %dma_start3A_707 = arith.constant 0 : i32
    %dma_start3A_708 = arith.constant 0 : i32
    %dma_start3A_709 = tpu.memref_slice %arg4[%dma_start3A_698, %dma_start3A_706, %dma_start3A_707, %dma_start3A_708] : memref<8x1x128x4096xf32, #tpu.memory_space<vmem>> -> memref<1x1x128x4096xf32, #tpu.memory_space<vmem>>
    %dma_start3A_710 = tpu.memref_squeeze %dma_start3A_709 : memref<1x1x128x4096xf32, #tpu.memory_space<vmem>> -> memref<1x128x4096xf32, #tpu.memory_space<vmem>>
    tpu.enqueue_dma source(%dma_start3A_710 : memref<1x128x4096xf32, #tpu.memory_space<vmem>>) target(%dma_start3A_705 : memref<1x128x4096xf32, #tpu.memory_space<hbm>>) target_semaphore(%dma_start3A_701 : memref<!tpu.dma_semaphore, #tpu.memory_space<semaphore_mem>>)
    %dma_wait3A_711 = arith.constant 7 : i32
    %dma_wait3A_712 = arith.constant 7 : i32
    %dma_wait3A_713 = tpu.memref_slice %arg5[%dma_wait3A_712] : memref<8x!tpu.dma_semaphore, #tpu.memory_space<semaphore_mem>> -> memref<1x!tpu.dma_semaphore, #tpu.memory_space<semaphore_mem>>
    %dma_wait3A_714 = tpu.memref_squeeze %dma_wait3A_713 : memref<1x!tpu.dma_semaphore, #tpu.memory_space<semaphore_mem>> -> memref<!tpu.dma_semaphore, #tpu.memory_space<semaphore_mem>>
    %dma_wait3A_715 = arith.constant 0 : i32
    %dma_wait3A_716 = arith.constant 0 : i32
    %dma_wait3A_717 = arith.constant 0 : i32
    %dma_wait3A_718 = tpu.memref_slice %arg4[%dma_wait3A_711, %dma_wait3A_715, %dma_wait3A_716, %dma_wait3A_717] : memref<8x1x128x4096xf32, #tpu.memory_space<vmem>> -> memref<1x1x128x4096xf32, #tpu.memory_space<vmem>>
    %dma_wait3A_719 = tpu.memref_squeeze %dma_wait3A_718 : memref<1x1x128x4096xf32, #tpu.memory_space<vmem>> -> memref<1x128x4096xf32, #tpu.memory_space<vmem>>
    %dma_wait3A_720 = arith.constant 15 : i32
    %dma_wait3A_721 = arith.constant 0 : i32
    %dma_wait3A_722 = arith.constant 0 : i32
    %dma_wait3A_723 = tpu.memref_slice %arg0[%dma_wait3A_720, %dma_wait3A_721, %dma_wait3A_722] : memref<16x128x4096xf32, #tpu.memory_space<hbm>> -> memref<1x128x4096xf32, #tpu.memory_space<hbm>>
    tpu.wait_dma2 semaphore(%dma_wait3A_714 : memref<!tpu.dma_semaphore, #tpu.memory_space<semaphore_mem>>) src(%dma_wait3A_723 : memref<1x128x4096xf32, #tpu.memory_space<hbm>>) dst(%dma_wait3A_719 : memref<1x128x4096xf32, #tpu.memory_space<vmem>>)
    %dma_start3A_724 = arith.constant 7 : i32
    %dma_start3A_725 = arith.constant 7 : i32
    %dma_start3A_726 = tpu.memref_slice %arg6[%dma_start3A_725] : memref<8x!tpu.dma_semaphore, #tpu.memory_space<semaphore_mem>> -> memref<1x!tpu.dma_semaphore, #tpu.memory_space<semaphore_mem>>
    %dma_start3A_727 = tpu.memref_squeeze %dma_start3A_726 : memref<1x!tpu.dma_semaphore, #tpu.memory_space<semaphore_mem>> -> memref<!tpu.dma_semaphore, #tpu.memory_space<semaphore_mem>>
    %dma_start3A_728 = arith.constant 15 : i32
    %dma_start3A_729 = arith.constant 0 : i32
    %dma_start3A_730 = arith.constant 0 : i32
    %dma_start3A_731 = tpu.memref_slice %arg2[%dma_start3A_728, %dma_start3A_729, %dma_start3A_730] : memref<16x128x4096xf32, #tpu.memory_space<hbm>> -> memref<1x128x4096xf32, #tpu.memory_space<hbm>>
    %dma_start3A_732 = arith.constant 0 : i32
    %dma_start3A_733 = arith.constant 0 : i32
    %dma_start3A_734 = arith.constant 0 : i32
    %dma_start3A_735 = tpu.memref_slice %arg4[%dma_start3A_724, %dma_start3A_732, %dma_start3A_733, %dma_start3A_734] : memref<8x1x128x4096xf32, #tpu.memory_space<vmem>> -> memref<1x1x128x4096xf32, #tpu.memory_space<vmem>>
    %dma_start3A_736 = tpu.memref_squeeze %dma_start3A_735 : memref<1x1x128x4096xf32, #tpu.memory_space<vmem>> -> memref<1x128x4096xf32, #tpu.memory_space<vmem>>
    tpu.enqueue_dma source(%dma_start3A_736 : memref<1x128x4096xf32, #tpu.memory_space<vmem>>) target(%dma_start3A_731 : memref<1x128x4096xf32, #tpu.memory_space<hbm>>) target_semaphore(%dma_start3A_727 : memref<!tpu.dma_semaphore, #tpu.memory_space<semaphore_mem>>)
    %dma_wait3A_737 = arith.constant 0 : i32
    %dma_wait3A_738 = arith.constant 0 : i32
    %dma_wait3A_739 = tpu.memref_slice %arg6[%dma_wait3A_738] : memref<8x!tpu.dma_semaphore, #tpu.memory_space<semaphore_mem>> -> memref<1x!tpu.dma_semaphore, #tpu.memory_space<semaphore_mem>>
    %dma_wait3A_740 = tpu.memref_squeeze %dma_wait3A_739 : memref<1x!tpu.dma_semaphore, #tpu.memory_space<semaphore_mem>> -> memref<!tpu.dma_semaphore, #tpu.memory_space<semaphore_mem>>
    %dma_wait3A_741 = arith.constant 8 : i32
    %dma_wait3A_742 = arith.constant 0 : i32
    %dma_wait3A_743 = arith.constant 0 : i32
    %dma_wait3A_744 = tpu.memref_slice %arg2[%dma_wait3A_741, %dma_wait3A_742, %dma_wait3A_743] : memref<16x128x4096xf32, #tpu.memory_space<hbm>> -> memref<1x128x4096xf32, #tpu.memory_space<hbm>>
    %dma_wait3A_745 = arith.constant 0 : i32
    %dma_wait3A_746 = arith.constant 0 : i32
    %dma_wait3A_747 = arith.constant 0 : i32
    %dma_wait3A_748 = tpu.memref_slice %arg4[%dma_wait3A_737, %dma_wait3A_745, %dma_wait3A_746, %dma_wait3A_747] : memref<8x1x128x4096xf32, #tpu.memory_space<vmem>> -> memref<1x1x128x4096xf32, #tpu.memory_space<vmem>>
    %dma_wait3A_749 = tpu.memref_squeeze %dma_wait3A_748 : memref<1x1x128x4096xf32, #tpu.memory_space<vmem>> -> memref<1x128x4096xf32, #tpu.memory_space<vmem>>
    tpu.wait_dma2 semaphore(%dma_wait3A_740 : memref<!tpu.dma_semaphore, #tpu.memory_space<semaphore_mem>>) src(%dma_wait3A_749 : memref<1x128x4096xf32, #tpu.memory_space<vmem>>) dst(%dma_wait3A_744 : memref<1x128x4096xf32, #tpu.memory_space<hbm>>)
    %dma_wait3A_750 = arith.constant 1 : i32
    %dma_wait3A_751 = arith.constant 1 : i32
    %dma_wait3A_752 = tpu.memref_slice %arg6[%dma_wait3A_751] : memref<8x!tpu.dma_semaphore, #tpu.memory_space<semaphore_mem>> -> memref<1x!tpu.dma_semaphore, #tpu.memory_space<semaphore_mem>>
    %dma_wait3A_753 = tpu.memref_squeeze %dma_wait3A_752 : memref<1x!tpu.dma_semaphore, #tpu.memory_space<semaphore_mem>> -> memref<!tpu.dma_semaphore, #tpu.memory_space<semaphore_mem>>
    %dma_wait3A_754 = arith.constant 9 : i32
    %dma_wait3A_755 = arith.constant 0 : i32
    %dma_wait3A_756 = arith.constant 0 : i32
    %dma_wait3A_757 = tpu.memref_slice %arg2[%dma_wait3A_754, %dma_wait3A_755, %dma_wait3A_756] : memref<16x128x4096xf32, #tpu.memory_space<hbm>> -> memref<1x128x4096xf32, #tpu.memory_space<hbm>>
    %dma_wait3A_758 = arith.constant 0 : i32
    %dma_wait3A_759 = arith.constant 0 : i32
    %dma_wait3A_760 = arith.constant 0 : i32
    %dma_wait3A_761 = tpu.memref_slice %arg4[%dma_wait3A_750, %dma_wait3A_758, %dma_wait3A_759, %dma_wait3A_760] : memref<8x1x128x4096xf32, #tpu.memory_space<vmem>> -> memref<1x1x128x4096xf32, #tpu.memory_space<vmem>>
    %dma_wait3A_762 = tpu.memref_squeeze %dma_wait3A_761 : memref<1x1x128x4096xf32, #tpu.memory_space<vmem>> -> memref<1x128x4096xf32, #tpu.memory_space<vmem>>
    tpu.wait_dma2 semaphore(%dma_wait3A_753 : memref<!tpu.dma_semaphore, #tpu.memory_space<semaphore_mem>>) src(%dma_wait3A_762 : memref<1x128x4096xf32, #tpu.memory_space<vmem>>) dst(%dma_wait3A_757 : memref<1x128x4096xf32, #tpu.memory_space<hbm>>)
    %dma_wait3A_763 = arith.constant 2 : i32
    %dma_wait3A_764 = arith.constant 2 : i32
    %dma_wait3A_765 = tpu.memref_slice %arg6[%dma_wait3A_764] : memref<8x!tpu.dma_semaphore, #tpu.memory_space<semaphore_mem>> -> memref<1x!tpu.dma_semaphore, #tpu.memory_space<semaphore_mem>>
    %dma_wait3A_766 = tpu.memref_squeeze %dma_wait3A_765 : memref<1x!tpu.dma_semaphore, #tpu.memory_space<semaphore_mem>> -> memref<!tpu.dma_semaphore, #tpu.memory_space<semaphore_mem>>
    %dma_wait3A_767 = arith.constant 10 : i32
    %dma_wait3A_768 = arith.constant 0 : i32
    %dma_wait3A_769 = arith.constant 0 : i32
    %dma_wait3A_770 = tpu.memref_slice %arg2[%dma_wait3A_767, %dma_wait3A_768, %dma_wait3A_769] : memref<16x128x4096xf32, #tpu.memory_space<hbm>> -> memref<1x128x4096xf32, #tpu.memory_space<hbm>>
    %dma_wait3A_771 = arith.constant 0 : i32
    %dma_wait3A_772 = arith.constant 0 : i32
    %dma_wait3A_773 = arith.constant 0 : i32
    %dma_wait3A_774 = tpu.memref_slice %arg4[%dma_wait3A_763, %dma_wait3A_771, %dma_wait3A_772, %dma_wait3A_773] : memref<8x1x128x4096xf32, #tpu.memory_space<vmem>> -> memref<1x1x128x4096xf32, #tpu.memory_space<vmem>>
    %dma_wait3A_775 = tpu.memref_squeeze %dma_wait3A_774 : memref<1x1x128x4096xf32, #tpu.memory_space<vmem>> -> memref<1x128x4096xf32, #tpu.memory_space<vmem>>
    tpu.wait_dma2 semaphore(%dma_wait3A_766 : memref<!tpu.dma_semaphore, #tpu.memory_space<semaphore_mem>>) src(%dma_wait3A_775 : memref<1x128x4096xf32, #tpu.memory_space<vmem>>) dst(%dma_wait3A_770 : memref<1x128x4096xf32, #tpu.memory_space<hbm>>)
    %dma_wait3A_776 = arith.constant 3 : i32
    %dma_wait3A_777 = arith.constant 3 : i32
    %dma_wait3A_778 = tpu.memref_slice %arg6[%dma_wait3A_777] : memref<8x!tpu.dma_semaphore, #tpu.memory_space<semaphore_mem>> -> memref<1x!tpu.dma_semaphore, #tpu.memory_space<semaphore_mem>>
    %dma_wait3A_779 = tpu.memref_squeeze %dma_wait3A_778 : memref<1x!tpu.dma_semaphore, #tpu.memory_space<semaphore_mem>> -> memref<!tpu.dma_semaphore, #tpu.memory_space<semaphore_mem>>
    %dma_wait3A_780 = arith.constant 11 : i32
    %dma_wait3A_781 = arith.constant 0 : i32
    %dma_wait3A_782 = arith.constant 0 : i32
    %dma_wait3A_783 = tpu.memref_slice %arg2[%dma_wait3A_780, %dma_wait3A_781, %dma_wait3A_782] : memref<16x128x4096xf32, #tpu.memory_space<hbm>> -> memref<1x128x4096xf32, #tpu.memory_space<hbm>>
    %dma_wait3A_784 = arith.constant 0 : i32
    %dma_wait3A_785 = arith.constant 0 : i32
    %dma_wait3A_786 = arith.constant 0 : i32
    %dma_wait3A_787 = tpu.memref_slice %arg4[%dma_wait3A_776, %dma_wait3A_784, %dma_wait3A_785, %dma_wait3A_786] : memref<8x1x128x4096xf32, #tpu.memory_space<vmem>> -> memref<1x1x128x4096xf32, #tpu.memory_space<vmem>>
    %dma_wait3A_788 = tpu.memref_squeeze %dma_wait3A_787 : memref<1x1x128x4096xf32, #tpu.memory_space<vmem>> -> memref<1x128x4096xf32, #tpu.memory_space<vmem>>
    tpu.wait_dma2 semaphore(%dma_wait3A_779 : memref<!tpu.dma_semaphore, #tpu.memory_space<semaphore_mem>>) src(%dma_wait3A_788 : memref<1x128x4096xf32, #tpu.memory_space<vmem>>) dst(%dma_wait3A_783 : memref<1x128x4096xf32, #tpu.memory_space<hbm>>)
    %dma_wait3A_789 = arith.constant 4 : i32
    %dma_wait3A_790 = arith.constant 4 : i32
    %dma_wait3A_791 = tpu.memref_slice %arg6[%dma_wait3A_790] : memref<8x!tpu.dma_semaphore, #tpu.memory_space<semaphore_mem>> -> memref<1x!tpu.dma_semaphore, #tpu.memory_space<semaphore_mem>>
    %dma_wait3A_792 = tpu.memref_squeeze %dma_wait3A_791 : memref<1x!tpu.dma_semaphore, #tpu.memory_space<semaphore_mem>> -> memref<!tpu.dma_semaphore, #tpu.memory_space<semaphore_mem>>
    %dma_wait3A_793 = arith.constant 12 : i32
    %dma_wait3A_794 = arith.constant 0 : i32
    %dma_wait3A_795 = arith.constant 0 : i32
    %dma_wait3A_796 = tpu.memref_slice %arg2[%dma_wait3A_793, %dma_wait3A_794, %dma_wait3A_795] : memref<16x128x4096xf32, #tpu.memory_space<hbm>> -> memref<1x128x4096xf32, #tpu.memory_space<hbm>>
    %dma_wait3A_797 = arith.constant 0 : i32
    %dma_wait3A_798 = arith.constant 0 : i32
    %dma_wait3A_799 = arith.constant 0 : i32
    %dma_wait3A_800 = tpu.memref_slice %arg4[%dma_wait3A_789, %dma_wait3A_797, %dma_wait3A_798, %dma_wait3A_799] : memref<8x1x128x4096xf32, #tpu.memory_space<vmem>> -> memref<1x1x128x4096xf32, #tpu.memory_space<vmem>>
    %dma_wait3A_801 = tpu.memref_squeeze %dma_wait3A_800 : memref<1x1x128x4096xf32, #tpu.memory_space<vmem>> -> memref<1x128x4096xf32, #tpu.memory_space<vmem>>
    tpu.wait_dma2 semaphore(%dma_wait3A_792 : memref<!tpu.dma_semaphore, #tpu.memory_space<semaphore_mem>>) src(%dma_wait3A_801 : memref<1x128x4096xf32, #tpu.memory_space<vmem>>) dst(%dma_wait3A_796 : memref<1x128x4096xf32, #tpu.memory_space<hbm>>)
    %dma_wait3A_802 = arith.constant 5 : i32
    %dma_wait3A_803 = arith.constant 5 : i32
    %dma_wait3A_804 = tpu.memref_slice %arg6[%dma_wait3A_803] : memref<8x!tpu.dma_semaphore, #tpu.memory_space<semaphore_mem>> -> memref<1x!tpu.dma_semaphore, #tpu.memory_space<semaphore_mem>>
    %dma_wait3A_805 = tpu.memref_squeeze %dma_wait3A_804 : memref<1x!tpu.dma_semaphore, #tpu.memory_space<semaphore_mem>> -> memref<!tpu.dma_semaphore, #tpu.memory_space<semaphore_mem>>
    %dma_wait3A_806 = arith.constant 13 : i32
    %dma_wait3A_807 = arith.constant 0 : i32
    %dma_wait3A_808 = arith.constant 0 : i32
    %dma_wait3A_809 = tpu.memref_slice %arg2[%dma_wait3A_806, %dma_wait3A_807, %dma_wait3A_808] : memref<16x128x4096xf32, #tpu.memory_space<hbm>> -> memref<1x128x4096xf32, #tpu.memory_space<hbm>>
    %dma_wait3A_810 = arith.constant 0 : i32
    %dma_wait3A_811 = arith.constant 0 : i32
    %dma_wait3A_812 = arith.constant 0 : i32
    %dma_wait3A_813 = tpu.memref_slice %arg4[%dma_wait3A_802, %dma_wait3A_810, %dma_wait3A_811, %dma_wait3A_812] : memref<8x1x128x4096xf32, #tpu.memory_space<vmem>> -> memref<1x1x128x4096xf32, #tpu.memory_space<vmem>>
    %dma_wait3A_814 = tpu.memref_squeeze %dma_wait3A_813 : memref<1x1x128x4096xf32, #tpu.memory_space<vmem>> -> memref<1x128x4096xf32, #tpu.memory_space<vmem>>
    tpu.wait_dma2 semaphore(%dma_wait3A_805 : memref<!tpu.dma_semaphore, #tpu.memory_space<semaphore_mem>>) src(%dma_wait3A_814 : memref<1x128x4096xf32, #tpu.memory_space<vmem>>) dst(%dma_wait3A_809 : memref<1x128x4096xf32, #tpu.memory_space<hbm>>)
    %dma_wait3A_815 = arith.constant 6 : i32
    %dma_wait3A_816 = arith.constant 6 : i32
    %dma_wait3A_817 = tpu.memref_slice %arg6[%dma_wait3A_816] : memref<8x!tpu.dma_semaphore, #tpu.memory_space<semaphore_mem>> -> memref<1x!tpu.dma_semaphore, #tpu.memory_space<semaphore_mem>>
    %dma_wait3A_818 = tpu.memref_squeeze %dma_wait3A_817 : memref<1x!tpu.dma_semaphore, #tpu.memory_space<semaphore_mem>> -> memref<!tpu.dma_semaphore, #tpu.memory_space<semaphore_mem>>
    %dma_wait3A_819 = arith.constant 14 : i32
    %dma_wait3A_820 = arith.constant 0 : i32
    %dma_wait3A_821 = arith.constant 0 : i32
    %dma_wait3A_822 = tpu.memref_slice %arg2[%dma_wait3A_819, %dma_wait3A_820, %dma_wait3A_821] : memref<16x128x4096xf32, #tpu.memory_space<hbm>> -> memref<1x128x4096xf32, #tpu.memory_space<hbm>>
    %dma_wait3A_823 = arith.constant 0 : i32
    %dma_wait3A_824 = arith.constant 0 : i32
    %dma_wait3A_825 = arith.constant 0 : i32
    %dma_wait3A_826 = tpu.memref_slice %arg4[%dma_wait3A_815, %dma_wait3A_823, %dma_wait3A_824, %dma_wait3A_825] : memref<8x1x128x4096xf32, #tpu.memory_space<vmem>> -> memref<1x1x128x4096xf32, #tpu.memory_space<vmem>>
    %dma_wait3A_827 = tpu.memref_squeeze %dma_wait3A_826 : memref<1x1x128x4096xf32, #tpu.memory_space<vmem>> -> memref<1x128x4096xf32, #tpu.memory_space<vmem>>
    tpu.wait_dma2 semaphore(%dma_wait3A_818 : memref<!tpu.dma_semaphore, #tpu.memory_space<semaphore_mem>>) src(%dma_wait3A_827 : memref<1x128x4096xf32, #tpu.memory_space<vmem>>) dst(%dma_wait3A_822 : memref<1x128x4096xf32, #tpu.memory_space<hbm>>)
    %dma_wait3A_828 = arith.constant 7 : i32
    %dma_wait3A_829 = arith.constant 7 : i32
    %dma_wait3A_830 = tpu.memref_slice %arg6[%dma_wait3A_829] : memref<8x!tpu.dma_semaphore, #tpu.memory_space<semaphore_mem>> -> memref<1x!tpu.dma_semaphore, #tpu.memory_space<semaphore_mem>>
    %dma_wait3A_831 = tpu.memref_squeeze %dma_wait3A_830 : memref<1x!tpu.dma_semaphore, #tpu.memory_space<semaphore_mem>> -> memref<!tpu.dma_semaphore, #tpu.memory_space<semaphore_mem>>
    %dma_wait3A_832 = arith.constant 15 : i32
    %dma_wait3A_833 = arith.constant 0 : i32
    %dma_wait3A_834 = arith.constant 0 : i32
    %dma_wait3A_835 = tpu.memref_slice %arg2[%dma_wait3A_832, %dma_wait3A_833, %dma_wait3A_834] : memref<16x128x4096xf32, #tpu.memory_space<hbm>> -> memref<1x128x4096xf32, #tpu.memory_space<hbm>>
    %dma_wait3A_836 = arith.constant 0 : i32
    %dma_wait3A_837 = arith.constant 0 : i32
    %dma_wait3A_838 = arith.constant 0 : i32
    %dma_wait3A_839 = tpu.memref_slice %arg4[%dma_wait3A_828, %dma_wait3A_836, %dma_wait3A_837, %dma_wait3A_838] : memref<8x1x128x4096xf32, #tpu.memory_space<vmem>> -> memref<1x1x128x4096xf32, #tpu.memory_space<vmem>>
    %dma_wait3A_840 = tpu.memref_squeeze %dma_wait3A_839 : memref<1x1x128x4096xf32, #tpu.memory_space<vmem>> -> memref<1x128x4096xf32, #tpu.memory_space<vmem>>
    tpu.wait_dma2 semaphore(%dma_wait3A_831 : memref<!tpu.dma_semaphore, #tpu.memory_space<semaphore_mem>>) src(%dma_wait3A_840 : memref<1x128x4096xf32, #tpu.memory_space<vmem>>) dst(%dma_wait3A_835 : memref<1x128x4096xf32, #tpu.memory_space<hbm>>)
    return
  }
}

</mosaic_0001>

<sc_bundles>
// kernel: kernel.4.cloned.1.call-start
scs
__scs_entry_jumppad:
0x0: {  	(pc) =	sbr.rel $0x88, $3  }
0x1: {  	(tag) =	ssettag $0x0;
	lr =	simm.s32 $0x1  }
0x2: {  	[smem:$0x3F9E] =	sst lr;
	_ =	strace $0xD0000000  }
0x3: {  	_ = 	snop  }
0x4: {  	_ = 	snop  }
0x5: {  	_ = 	snop  }
0x6: {  	_ = 	snop  }
0x7: {  	_ = 	snop  }
__scs_overlays_trampoline_lowered:
0x8: {  	[smem:$0x3FAD] =	sst s0  }
0x9: {  	[smem:$0x3FAE] =	sst s1  }
0xa: {  	[smem:$0x3FAF] =	sst s2  }
0xb: {  	[smem:$0x3FB0] =	sst s3  }
0xc: {  	[smem:$0x3FB1] =	sst s4  }
0xd: {  	[smem:$0x3FB2] =	sst s5  }
0xe: {  	[smem:$0x3FB3] =	sst s6  }
0xf: {  	[smem:$0x3FB4] =	sst s7  }
0x10: {  	[smem:$0x3FB5] =	sst s8  }
0x11: {  	[smem:$0x3FB6] =	sst s9;
	s0 =	simm.s32 @!p0 $0x0  }
0x12: {  	s1 =	sld [smem:$0x3F9C];
	s0 =	simm.s32 @p0 $0x1  }
0x13: {  	[smem:$0x3FB7] =	sst s0;
	s0 =	simm.s32 @!p1 $0x0  }
0x14: {  	s2 =	sld [smem:$0x3F9B];
	s0 =	simm.s32 @p1 $0x1  }
0x15: {  	[smem:$0x3FB8] =	sst s0;
	s0 =	simm.s32 @!p2 $0x0  }
0x16: {  	s3 =	sld [smem:$0x3FDB];
	s0 =	simm.s32 @p2 $0x1  }
0x17: {  	s4 =	simm.s32 $0x1BF5;
	[smem:$0x3FBA] =	sst s0  }
0x18: {  	s0 =	sld [smem:$0x3F9D];
	_ =	swait.ge [sflag:s4], $0x0  }
0x19: {  	s7 =	sld [smem:$0x3F9E]  }
0x1a: {  	s8 =	sadd.s32 $0xFFFFE003, lr  }
0x1b: {  	s9 =	sadd.s32 $0xFFFFFEF7, lr;
	s5 =	simm.s32 $0xFFFFFFFF;
	p2 =	slt.u32 s8, $0xFFFFF086  }
0x1c: {  	p1 =	slt.u32 s9, $0xF7A;
	s5 =	simm.s32 @!p2 $0x0  }
0x1d: {  	s5 =	simm.s32 @p1 $0x1;
	p0 =	seq.s32 s7, s2  }
0x1e: {  	s7 =	smul.u32 @!p0 $0xF7A, s2;
	p2 =	seq.s32 @!p0 s5, $0x0  }
0x1f: {  	s9 =	smul.u32 $0xF7A, s1;
	s8 =	simm.s32 @!p0 $0x1BF5;
	p2 =	por !p2, p0  }
0x20: {  	[sflag:s8] =	ssyncset.s32 @!p0 $0xFFFFF086;
	s6 =	sadd.s32 @!p0 s3, s7;
	s7 =	simm.s32 @!p0 $0x108  }
0x21: {  	s3 =	sadd.s32 s3, s9;
	s6 =	sadd.s32 @!p0 $0x88, s6;
	s7 =	simm.s32 @p2 $0x1082  }
0x22: {  	[simem:s7], [sflag:s8] =	dma.local @!p0 [hbm:s6], $0xF7A  }
0x23: {  	s9 =	sor.u32 $0xD0000000, s2;
	s6 =	simm.s32 $0x108;
	_ =	swait.ge @!p0 [sflag:s8], $0x0  }
0x24: {  	s3 =	sadd.s32 $0x88, s3;
	s6 =	simm.s32 @!p1 $0x1082;
	[sflag:s4] =	ssyncset.s32 $0xFFFFF086  }
0x25: {  	[simem:s6], [sflag:s4] =	dma.local [hbm:s3], $0xF7A  }
0x26: {  	[smem:$0x3F9E] =	sst s1;
	(tag) =	ssettag s2;
	_ =	strace s9  }
0x27: {  	s1 =	sld [smem:$0x3FAE]  }
0x28: {  	s2 =	sld [smem:$0x3FAF]  }
0x29: {  	s4 =	sld [smem:$0x3FB1]  }
0x2a: {  	p0 =	seq.s32 s5, $0x0;
	s5 =	sld [smem:$0x3FB2]  }
0x2b: {  	s6 =	sld [smem:$0x3FB3]  }
0x2c: {  	s7 =	sld [smem:$0x3FB4]  }
0x2d: {  	s3 =	simm.s32 $0x108;
	s8 =	sld [smem:$0x3FB5]  }
0x2e: {  	s3 =	simm.s32 @!p0 $0x1082;
	s9 =	sld [smem:$0x3FB6]  }
0x2f: {  	lr =	sadd.s32 s0, s3;
	s0 =	sld [smem:$0x3FAD]  }
0x30: {  	s3 =	sld [smem:$0x3FB0]  }
0x31: {  	[smem:$0x3FB9] =	sst s10  }
0x32: {  	s10 =	sld [smem:$0x3FB7];
	_ =	sdelay $0x3  }
0x33: {  	p0 =	seq.s32 s10, $0x1;
	s10 =	sld [smem:$0x3FB9];
	_ =	sdelay $0x3  }
0x34: {  	[smem:$0x3FB9] =	sst s10  }
0x35: {  	s10 =	sld [smem:$0x3FB8];
	_ =	sdelay $0x3  }
0x36: {  	p1 =	seq.s32 s10, $0x1;
	s10 =	sld [smem:$0x3FB9];
	_ =	sdelay $0x3  }
0x37: {  	[smem:$0x3FB9] =	sst s10  }
0x38: {  	s10 =	sld [smem:$0x3FBA]  }
0x39: {  	_ = 	snop;
	(pc) =	sbr.ind lr, $3  }
0x3a: {  	_ = 	snop  }
0x3b: {  	_ = 	snop  }
0x3c: {  	p2 =	seq.s32 s10, $0x1;
	s10 =	sld [smem:$0x3FB9]  }
0x3d: {  	_ =	shalt  }
0x3e: {  	_ =	shalt  }
0x3f: {  	_ =	shalt  }
0x40: {  	_ =	shalt  }
0x41: {  	_ =	shalt  }
0x42: {  	_ =	shalt  }
0x43: {  	_ =	shalt  }
0x44: {  	_ =	shalt  }
0x45: {  	_ =	shalt  }
0x46: {  	_ =	shalt  }
0x47: {  	_ =	shalt  }
0x48: {  	_ =	shalt  }
0x49: {  	_ =	shalt  }
0x4a: {  	_ =	shalt  }
0x4b: {  	_ =	shalt  }
0x4c: {  	_ =	shalt  }
0x4d: {  	_ =	shalt  }
0x4e: {  	_ =	shalt  }
0x4f: {  	_ =	shalt  }
0x50: {  	_ =	shalt  }
0x51: {  	_ =	shalt  }
0x52: {  	_ =	shalt  }
0x53: {  	_ =	shalt  }
0x54: {  	_ =	shalt  }
0x55: {  	_ =	shalt  }
0x56: {  	_ =	shalt  }
0x57: {  	_ =	shalt  }
0x58: {  	_ =	shalt  }
0x59: {  	_ =	shalt  }
0x5a: {  	_ =	shalt  }
0x5b: {  	_ =	shalt  }
0x5c: {  	_ =	shalt  }
0x5d: {  	_ =	shalt  }
0x5e: {  	_ =	shalt  }
0x5f: {  	_ =	shalt  }
0x60: {  	_ =	shalt  }
0x61: {  	_ =	shalt  }
0x62: {  	_ =	shalt  }
0x63: {  	_ =	shalt  }
0x64: {  	_ =	shalt  }
0x65: {  	_ =	shalt  }
0x66: {  	_ =	shalt  }
0x67: {  	_ =	shalt  }
0x68: {  	_ =	shalt  }
0x69: {  	_ =	shalt  }
0x6a: {  	_ =	shalt  }
0x6b: {  	_ =	shalt  }
0x6c: {  	_ =	shalt  }
0x6d: {  	_ =	shalt  }
0x6e: {  	_ =	shalt  }
0x6f: {  	_ =	shalt  }
0x70: {  	_ =	shalt  }
0x71: {  	_ =	shalt  }
0x72: {  	_ =	shalt  }
0x73: {  	_ =	shalt  }
0x74: {  	_ =	shalt  }
0x75: {  	_ =	shalt  }
0x76: {  	_ =	shalt  }
0x77: {  	_ =	shalt  }
0x78: {  	_ =	shalt  }
0x79: {  	_ =	shalt  }
0x7a: {  	_ =	shalt  }
0x7b: {  	_ =	shalt  }
0x7c: {  	_ =	shalt  }
0x7d: {  	_ =	shalt  }
0x7e: {  	_ =	shalt  }
0x7f: {  	_ =	shalt  }
0x80: {  	_ =	shalt  }
0x81: {  	_ =	shalt  }
0x82: {  	_ =	shalt  }
0x83: {  	_ =	shalt  }
0x84: {  	_ =	shalt  }
0x85: {  	_ =	shalt  }
0x86: {  	_ =	shalt  }
0x87: {  	_ =	shalt  }
.Lfunc_end0:
.L_simem_size_0:
called_computation_lowered:
.L_overlay_start_0:
0x88: {  	s2 =	sld [smem:$0x3FD9]  }
0x89: {  	s3 =	sld [smem:$0x3FFE];
	_ =	sdelay $0x1  }
0x8a: {  	s1 =	srdreg.scid  }
0x8b: {  	s0 =	sand.u32 $0x1, s1  }
0x8c: {  	s14 =	sshll.u32 s0, $0xA;
	s2 =	sadd.s32 s3, s2  }
0x8d: {  	s2 =	sadd.s32 s2, s14  }
0x8e: {  	[smem:$0x3FC5] =	sst s2  }
0x8f: {  	_ = 	snop  }
0x90: {  	s2 =	sld [smem:$0x3FD0];
	_ =	sdelay $0x2  }
0x91: {  	s15 =	simm.s32 $0xA;
	s4 =	simm.s32 $0x10  }
0x92: {  	[smem:s4], [sflag:s15] =	dma.local [hbm:s2], $0x1  }
0x93: {  	_ =	swait.eq [sflag:s15], $0x1  }
0x94: {  	[sflag:s15] =	ssyncset.done $0x0  }
0x95: {  	[sflag:s15] =	ssyncadd.s32 $0xFFFFFFFF  }
0x96: {  	s16 =	sld [smem:$0x11];
	(tm) =	ssettm $0x1  }
0x97: {  	s17 =	sld [smem:$0x3FFB];
	_ =	sdelay $0x3  }
0x98: {  	_ =	strace s17  }
0x99: {  	s3 =	sld [smem:$0x3FFC];
	_ =	sdelay $0x3  }
0x9a: {  	_ =	strace s3  }
0x9b: {  	s3 =	sld [smem:$0x3FFD];
	_ =	sdelay $0x3  }
0x9c: {  	_ =	strace s3  }
0x9d: {  	_ =	strace $0x8FFFFFFF  }
0x9e: {  	s18 =	sld [smem:$0x3FDB];
	_ =	sdelay $0x1  }
0x9f: {  	s19 =	simm.s32 $_scs_section_size  }
0xa0: {  	s5 =	simm.s32 $_size__tile_overlayer_lowered;
	s6 =	simm.s32 $_tile_overlayer_lowered  }
0xa1: {  	s22 =	simm.s32 $0x1BFF;
	s21 =	sshll.u32 s6, $0x1;
	s3 =	sadd.s32 s19, s18  }
0xa2: {  	s7 =	simm.s32 $0x0;
	s20 =	sshll.u32 s5, $0x1;
	s5 =	sadd.s32 s21, s3  }
0xa3: {  	[timem:s7], [sflag:s22] =	dma.local [hbm:s5], s20  }
0xa4: {  	_ =	swait.ge [sflag:s22], s20  }
0xa5: {  	s4 =	ssub.s32 $0x0, s20;
	[sflag:s22] =	ssyncset.done $0x0  }
0xa6: {  	[sflag:s22] =	ssyncadd.s32 s4;
	_ =	sdelay $0x1  }
0xa7: {  	s23 =	simm.s32 $0x1B8B  }
0xa8: {  	_ =	swait.ge [sflag:s23], $0x1  }
0xa9: {  	[sflag:s23] =	ssyncset.done $0x0  }
0xaa: {  	s25 =	simm.s32 $0x1B8E;
	s24 =	sld [smem:$0x3FFE];
	[sflag:s23] =	ssyncadd.s32 $0xFFFFFFFF  }
0xab: {  	s26 =	simm.s32 $execute0_lowered;
	[smem:$0x3FD2] =	sst s25  }
0xac: {  	s5 =	sshll.u32 s26, $0x1;
	_ =	strace $0x80000046;
	[dreg:$0x1] =	wrdreg $0xFFFFFFFF  }
0xad: {  	s28 =	simm.s32 $_size_execute0_lowered;
	s3 =	sadd.s32 s3, s5;
	[dreg:$0x0] =	wrdreg $0x0  }
0xae: {  	s5 =	sshll.u32 s28, $0x1;
	[dreg:$0x2] =	wrdreg s3  }
0xaf: {  	[dreg:$0x3] =	wrdreg s5  }
0xb0: {  	[dreg:$0x4] =	wrdreg $0xC0  }
0xb1: {  	_ =	task [dreg:s7], $0x5FFFF  }
0xb2: {  	[dreg:$0x1] =	wrdreg $0xFFFFFFFF  }
0xb3: {  	[dreg:$0x0] =	wrdreg $0x60  }
0xb4: {  	[dreg:$0x2] =	wrdreg s16  }
0xb5: {  	[dreg:$0x3] =	wrdreg s24  }
0xb6: {  	[dreg:$0x4] =	wrdreg $0x9  }
0xb7: {  	_ =	task.clear_ibuf [dreg:s7], $0x5FFFF;
	_ =	strace $0x90000046  }
0xb8: {  	s29 =	simm.s32 $0x9;
	_ =	strace $0x80000048  }
0xb9: {  	_ =	swait.ge [sflag:s29], $0x1  }
0xba: {  	[sflag:s29] =	ssyncadd.s32 $0xFFFFFFFF  }
0xbb: {  	_ =	strace $0x90000048  }
0xbc: {  	_ =	sfence  }
0xbd: {  	s30 =	sld [smem:$0x0];
	_ =	sdelay $0x2  }
0xbe: {  	s31 =	sshll.u32 s1, $0xD;
	s1 =	sshrl.u32 s1, $0x2  }
0xbf: {  	s3 =	sand.u32 $0x4000, s31;
	s1 =	sadd.s32 s1, s30  }
0xc0: {  	s0 =	sor.u32 s3, s0;
	s1 =	sshll.u32 s1, $0x11  }
0xc1: {  	s0 =	sor.u32 s1, s0  }
0xc2: {  	s0 =	sadd.s32 $0x8F2B, s0  }
0xc3: {  	[sflag:s0] =	ssyncadd.remote.s32 $0x1  }
0xc4: {  	_ =	sfence.sel $0xFFFF  }
0xc5: {  	[dreg:$0x0] =	wrdreg $0xFFFFFFFF;
	(pc) =	sbr.abs _section_cstart, $3  }
0xc6: {  	[dreg:$0x1] =	wrdreg $0xFFFFFFFF  }
0xc7: {  	_ =	task.clear_ibuf [dreg:s7], $0x2FFFF;
	_ =	strace $0x9FFFFFFF  }
0xc8: {  	(tm) =	ssettm $0x7FFFFFFF  }
0xc9: {  	_ =	shalt  }
tec
execute0_lowered:
.L_overlay_start_1:
0x0: {  	(tag) =	ssettag $0x1  }
0x1: {  	s3 =	rddreg [dreg:$0x0]  }
0x2: {  	s7 =	rddreg [dreg:$0x1];
	s2 =	srdreg.scid  }
0x3: {  	s1 =	stileid.u32;
	s0 =	rddreg [dreg:$0x2]  }
0x4: {  	s4 =	sand.u32 $0x1, s2;
	s30 =	sshll.u32 s1, $0x6;
	s6 =	sshll.u32 s1, $0xB  }
0x5: {  	s2 =	simm.s32 $0x0;
	s5 =	sshll.u32 s4, $0x5;
	s8 =	sand.u32 $0x40, s30  }
0x6: {  	s6 =	sand.u32 $0x7000, s6;
	[smem:$0x7FF] =	sst s2;
	s9 =	ssub.s32 $0x2, s4  }
0x7: {  	s4 =	simm.s32 $0x100;
	s5 =	sor.u32 s5, s8;
	_ =	strace $0x80000047  }
0x8: {  	s31 =	sshrl.u32 s9, $0x1;
	s8 =	sor.u32 s6, s5;
	s5 =	simm.s32 $0x400  }
0x9: {  	s3 =	sadd.s32 s3, s8;
	s7 =	sadd.s32 s8, s7;
	s8 =	ssub.s32 s9, s31  }
0xa: {  	[tilespmem:s2], [sflag:$0x1] =	stream.strided.gather [hbm4b:s3+s4], $0x2000, s5, s4, $0x38;
	[tilespmem:$0x2000] =	vst v63  }
0xb: {  	s6 =	simm.s32 $0x1;
	s9 =	smax.u32 s8, $0x1  }
0xc: {  	_ =	swait.ge [sflag:s6], $0x2000;
	p0 =	sne.s32 s9, $0x1  }
.Ltmp0:
0xd: {  	[sflag:s6] =	ssyncset.done $0x0;
	(pc) =	sbr.rel @!p0 .LBB2_2-.Ltmp0, $4  }
0xe: {  	s7 =	sadd.s32 $0x800, s7;
	s8 =	simm.s32 $0x2;
	[sflag:s6] =	ssyncadd.s32 $0xFFFFE000  }
0xf: {  	[hbm4b:s7+s4] =	stream.strided.scatter [tilespmem:s2], [sflag:$0x2], $0x2000, s5, s4, $0x38;
	[tilespmem:$0x2000] =	vst v63  }
0x10: {  	_ =	swait.ge [sflag:s8], $0x2000  }
0x11: {  	s9 =	sadd.s32 $0xFFFFFFFF, s9;
	[sflag:s8] =	ssyncset.done $0x0  }
.LBB2_1:
0x12: {  	p0 =	sne.s32 s9, $0x1;
	s9 =	sadd.s32 $0xFFFFFFFF, s9;
	[sflag:s8] =	ssyncadd.s32 $0xFFFFE000  }
0x13: {  	[tilespmem:s2], [sflag:$0x1] =	stream.strided.gather [hbm4b:s3+s4], $0x2000, s5, s4, $0x38;
	[tilespmem:$0x2000] =	vst v63  }
0x14: {  	_ =	swait.ge [sflag:s6], $0x2000  }
.Ltmp1:
0x15: {  	[sflag:s6] =	ssyncset.done $0x0;
	(pc) =	sbr.rel @p0 .LBB2_1-.Ltmp1, $4  }
0x16: {  	[sflag:s6] =	ssyncadd.s32 $0xFFFFE000  }
0x17: {  	[hbm4b:s7+s4] =	stream.strided.scatter [tilespmem:s2], [sflag:$0x2], $0x2000, s5, s4, $0x38;
	[tilespmem:$0x2000] =	vst v63  }
0x18: {  	_ =	swait.ge [sflag:s8], $0x2000  }
0x19: {  	[sflag:s8] =	ssyncset.done $0x0  }
.LBB2_2:
0x1a: {  	[sflag:s8] =	ssyncadd.s32 $0xFFFFE000  }
0x1b: {  	_ =	sfence.sel $0x180000  }
0x1c: {  	[bflag:$0x0] =	sbarrier.arrive $0xFFFF  }
0x1d: {  	p0 =	sne.s32 s1, $0x0;
	_ =	strace $0x90000047  }
0x1e: {  	s0 =	sadd.s32 @!p0 $0x100000, s0;
	[bflag:$0x2] =	sbarrier.arrive $0xFFFF  }
0x1f: {  	[sflag:s0] =	ssyncadd.tile.s32 @!p0 $0x1;
	_ =	shalt  }
.Lfunc_end2:
_tile_overlayer_lowered:
.L_overlay_start_2:
0x20: {  	(tag) =	ssettag $0x2  }
0x21: {  	s0 =	rddreg [dreg:$0x0];
	s2 =	stileid.u32  }
0x22: {  	s1 =	rddreg [dreg:$0x1];
	p0 =	sne.s32 s2, $0x0  }
0x23: {  	s3 =	rddreg [dreg:$0x2];
	[bflag:$0x3] =	sbarrier.arrive $0xFFFF;
	s2 =	simm.s32 @!p0 $0x1C03  }
0x24: {  	[timem:s3], [sflag:s2] =	dma.local @!p0 [hbm:s0], s1  }
0x25: {  	s0 =	simm.s32 @!p0 $0x3  }
0x26: {  	_ =	swait.ge @!p0 [sflag:s0], s1  }
0x27: {  	s1 =	ssub.s32 @!p0 $0x0, s1;
	[sflag:s0] =	ssyncset.done @!p0 $0x0  }
0x28: {  	[sflag:s0] =	ssyncadd.s32 @!p0 s1  }
0x29: {  	[bflag:$0x3] =	sbarrier.arrive $0xFFFF  }
0x2a: {  	_ =	shalt  }

</sc_bundles>
